<compile_context>
chip_gen: v7x
topology: tpu7x:2x2x1
jax: 0.10.2.dev20260603
libtpu: 0.0.44.dev20260713+nightly
codegen_flags: <defaults>
</compile_context>

<pallas_src>
import math

import jax
import jax.numpy as jnp
from jax import lax
from jax.experimental import pallas as pl
from jax.experimental.pallas import tpu as pltpu
from jax.experimental.pallas import tpu_sc as plsc

_EPS = 1e-12
_F32 = jnp.float32
_BF16 = jnp.bfloat16


def _dot_t(a, b):
    return lax.dot_general(a, b, (((1,), (1,)), ((), ())),
                           preferred_element_type=_F32)


def _gelu(v):
    inner = math.sqrt(2.0 / math.pi) * (v + 0.044715 * v * v * v)
    return 0.5 * v * (1.0 + jnp.tanh(inner))


def kernel(x, W1w, W1b, W2w, W2b, Wfc, bfc, Wproj, bproj, Wr, br, g1, be1, g2, be2):
    Bb, N, D = x.shape
    E, F, _ = Wfc.shape
    H = 12
    DH = D // H
    K = 2
    TILE = 512
    NT = N // TILE
    ND = float(N * D)
    scale = 1.0 / math.sqrt(float(N))

    x2 = x.reshape(N, D)
    b1r = W1b.reshape(1, 3 * D)
    b2r = W2b.reshape(1, D)
    g1r, be1r = g1.reshape(1, D), be1.reshape(1, D)
    g2r, be2r = g2.reshape(1, D), be2.reshape(1, D)
    brr = br.reshape(1, E)

    def _front(x_ref, w1_ref, b1_ref, w2_ref, b2_ref,
               g1_ref, be1_ref, wr_ref, br_ref,
               y_ref, cs_ref, css_ref, stats_ref, lg_ref, v_s, s_s):
        g = pl.program_id(0)

        @pl.when(g == 0)
        def _():
            s_s[...] = jnp.zeros_like(s_s)

        @pl.when(g < NT)
        def _():
            xp = _dot_t(x_ref[...], w1_ref[...]) + b1_ref[...]
            base = pl.multiple_of(g * TILE, TILE)
            for h in range(H):
                v_s[h, pl.ds(base, TILE), :] = \
                    xp[:, 2 * D + h * DH:2 * D + (h + 1) * DH]
                qh = xp[:, h * DH:(h + 1) * DH]
                kh = xp[:, D + h * DH:D + (h + 1) * DH]
                s_s[h] += lax.dot_general(qh, kh, (((0,), (0,)), ((), ())),
                                          preferred_element_type=_F32)

        @pl.when(g >= NT)
        def _():
            i = g - NT
            parts = []
            for t in range(3):
                hh = 3 * i + t
                w = jax.nn.softmax(s_s[hh] * scale, axis=-1)
                parts.append(
                    lax.dot_general(w, v_s[hh], (((1,), (1,)), ((), ())),
                                    preferred_element_type=_F32))
            r = jnp.concatenate(parts, axis=0)
            att = jnp.reshape(r, (TILE, D))
            y = _dot_t(att, w2_ref[...]) + b2_ref[...] + x_ref[...]
            y_ref[...] = y

            @pl.when(i == 0)
            def _():
                cs_ref[...] = jnp.zeros_like(cs_ref)
                css_ref[...] = jnp.zeros_like(css_ref)

            cs_ref[...] += jnp.sum(y, axis=0, keepdims=True)
            css_ref[...] += jnp.sum(y * y, axis=0, keepdims=True)

            @pl.when(i == NT - 1)
            def _():
                total = jnp.sum(cs_ref[...])
                mu = total / ND
                ssq = jnp.sum(css_ref[...])
                var = (ssq - ND * mu * mu) / (ND - 1.0)
                rstd = 1.0 / jnp.sqrt(var + _EPS)
                colmean_x1 = ((cs_ref[...] / N) - mu) * rstd * g1_ref[...] \
                    + be1_ref[...]
                logits = _dot_t(colmean_x1, wr_ref[...]) + br_ref[...]
                probs = jax.nn.softmax(logits, axis=-1)
                pad = jnp.full((1, 16 - E), -1.0, _F32)
                lg_ref[...] = jnp.concatenate([probs, pad], axis=1)
                iota2 = lax.broadcasted_iota(jnp.int32, (1, 2), 1)
                stats_ref[...] = jnp.where(iota2 == 0, mu, rstd)

    def _xtile(g):
        return (jnp.where(g < NT, g, g - NT), 0)

    y, cs, css, stats2, lg16 = pl.pallas_call(
        _front,
        grid=(2 * NT,),
        in_specs=[
            pl.BlockSpec((TILE, D), _xtile),
            pl.BlockSpec((3 * D, D), lambda g: (0, 0)),
            pl.BlockSpec((1, 3 * D), lambda g: (0, 0)),
            pl.BlockSpec((D, D), lambda g: (0, 0)),
            pl.BlockSpec((1, D), lambda g: (0, 0)),
            pl.BlockSpec((1, D), lambda g: (0, 0)),
            pl.BlockSpec((1, D), lambda g: (0, 0)),
            pl.BlockSpec((E, D), lambda g: (0, 0)),
            pl.BlockSpec((1, E), lambda g: (0, 0)),
        ],
        out_specs=[
            pl.BlockSpec((TILE, D), _xtile),
            pl.BlockSpec((1, D), lambda g: (0, 0)),
            pl.BlockSpec((1, D), lambda g: (0, 0)),
            pl.BlockSpec((1, 2), lambda g: (0, 0)),
            pl.BlockSpec((1, 16), lambda g: (0, 0)),
        ],
        out_shape=[
            jax.ShapeDtypeStruct((N, D), _F32),
            jax.ShapeDtypeStruct((1, D), _F32),
            jax.ShapeDtypeStruct((1, D), _F32),
            jax.ShapeDtypeStruct((1, 2), _F32),
            jax.ShapeDtypeStruct((1, 16), _F32),
        ],
        scratch_shapes=[
            pltpu.VMEM((H, N, DH), _F32),
            pltpu.VMEM((H, DH, DH), _F32),
        ],
    )(x2, W1w, b1r, W2w, b2r, g1r, be1r, Wr, brr)

    def _router_sc(probs_hbm, vals_hbm, idx_hbm, pr_v, vals_v, idx_v):
        @pl.when((lax.axis_index("c") == 0) & (lax.axis_index("s") == 0))
        def _():
            pltpu.sync_copy(probs_hbm, pr_v)
            p = pr_v[...]
            ii = lax.iota(jnp.int32, 16)
            sp, si = plsc.sort_key_val(p, ii, descending=True)
            vals_v[...] = sp
            idx_v[...] = si
            pltpu.sync_copy(vals_v, vals_hbm)
            pltpu.sync_copy(idx_v.at[pl.ds(0, 8)], idx_hbm)

    vals16, idx8 = pl.kernel(
        _router_sc,
        out_type=[jax.ShapeDtypeStruct((16,), _F32),
                  jax.ShapeDtypeStruct((8,), jnp.int32)],
        mesh=plsc.VectorSubcoreMesh(core_axis_name="c", subcore_axis_name="s",
                                    num_cores=1, num_subcores=1),
        scratch_types=[pltpu.VMEM((16,), _F32),
                       pltpu.VMEM((16,), _F32),
                       pltpu.VMEM((16,), jnp.int32)],
        compiler_params=pltpu.CompilerParams(needs_layout_passes=False),
    )(lg16.reshape(16))

    vals2 = vals16.reshape(1, 16)
    bfc3 = bfc.reshape(E, 1, F)
    bproj3 = bproj.reshape(E, 1, D)

    FT = 768
    NF = F // FT
    GE = K * NF

    def _tail(idx_ref, y_ref, cs_ref, css_ref, stats_ref, vals_ref,
              g1_ref, be1_ref, g2_ref, be2_ref,
              wfc_ref, bfc_ref, wproj_ref, bproj_ref, o_ref, m_s):
        g = pl.program_id(0)

        @pl.when(g == 0)
        def _():
            m_s[...] = jnp.zeros_like(m_s)

        @pl.when(g < GE)
        def _():
            j = g // NF
            f = g % NF
            mu = stats_ref[:, 0:1]
            rstd = stats_ref[:, 1:2]
            val = jnp.where(j == 0, vals_ref[:, 0:1], vals_ref[:, 1:2])
            yj = jnp.where(j == 0, y_ref[0:1, :], y_ref[1:2, :])
            x1j = (yj - mu) * rstd * g1_ref[...] + be1_ref[...]
            h = _gelu(_dot_t(x1j, wfc_ref[0]) + bfc_ref[0])
            o = _dot_t(h, wproj_ref[0])
            m_s[...] += val * o

            @pl.when(f == 0)
            def _():
                m_s[...] += val * bproj_ref[0]

        @pl.when(g >= GE)
        def _():
            total = jnp.sum(cs_ref[...])
            mu1 = total / ND
            ssq = jnp.sum(css_ref[...])
            var1 = (ssq - ND * mu1 * mu1) / (ND - 1.0)
            rstd1 = 1.0 / jnp.sqrt(var1 + _EPS)
            a = rstd1 * g1_ref[...]
            c = be1_ref[...] + m_s[...] - mu1 * a
            sz = jnp.sum(a * cs_ref[...] + N * c)
            szz = jnp.sum(a * a * css_ref[...] + 2.0 * a * c * cs_ref[...]
                          + N * c * c)
            mu2 = sz / ND
            var2 = (szz - ND * mu2 * mu2) / (ND - 1.0)
            rstd2 = 1.0 / jnp.sqrt(var2 + _EPS)
            z = y_ref[...] * a + c
            o_ref[...] = (z - mu2) * rstd2 * g2_ref[...] + be2_ref[...]

    def _ytile(g, idx):
        return (jnp.where(g < GE, 0, g - GE), 0)

    def _jj(g):
        return jnp.where(g < GE, g // NF, K - 1)

    def _ff(g):
        return jnp.where(g < GE, g % NF, NF - 1)

    out = pl.pallas_call(
        _tail,
        grid_spec=pltpu.PrefetchScalarGridSpec(
            num_scalar_prefetch=1,
            grid=(GE + NT,),
            in_specs=[
                pl.BlockSpec((TILE, D), _ytile),
                pl.BlockSpec((1, D), lambda g, idx: (0, 0)),
                pl.BlockSpec((1, D), lambda g, idx: (0, 0)),
                pl.BlockSpec((1, 2), lambda g, idx: (0, 0)),
                pl.BlockSpec((1, 16), lambda g, idx: (0, 0)),
                pl.BlockSpec((1, D), lambda g, idx: (0, 0)),
                pl.BlockSpec((1, D), lambda g, idx: (0, 0)),
                pl.BlockSpec((1, D), lambda g, idx: (0, 0)),
                pl.BlockSpec((1, D), lambda g, idx: (0, 0)),
                pl.BlockSpec((1, FT, D),
                             lambda g, idx: (idx[_jj(g)], _ff(g), 0)),
                pl.BlockSpec((1, 1, FT),
                             lambda g, idx: (idx[_jj(g)], 0, _ff(g))),
                pl.BlockSpec((1, D, FT),
                             lambda g, idx: (idx[_jj(g)], 0, _ff(g))),
                pl.BlockSpec((1, 1, D),
                             lambda g, idx: (idx[_jj(g)], 0, 0)),
            ],
            out_specs=pl.BlockSpec((TILE, D), _ytile),
            scratch_shapes=[pltpu.VMEM((1, D), _F32)],
        ),
        out_shape=jax.ShapeDtypeStruct((N, D), _F32),
    )(idx8, y, cs, css, stats2, vals2, g1r, be1r, g2r, be2r,
      Wfc, bfc3, Wproj, bproj3)

    return out.reshape(Bb, N, D)

# --- scband reference (transcript-rebuilt; emitter-appended) ---
"""Pipeline reference for scband-block-48137993453612 (READ-ONLY COPY).

The authoritative reference and input builder live on the scoring server;
editing this copy changes nothing except your own understanding.
"""

import jax, jax.numpy as jnp
import numpy as np
import math

D = 768
H = 12
E = 8
K = 2
B = 1
N = 2048
F = 4 * D


def gelu(x):
    theta_x = 1 + jnp.tanh(math.sqrt(2 / math.pi) * (x + 0.044715 * jnp.power(x, 3)))
    return 0.5 * x * theta_x


def setup_inputs(seed: int = 0) -> dict:
    key = jax.random.key(seed)
    ks = [jax.random.fold_in(key, i) for i in range(16)]
    s = 0.02
    return {
        'x': jax.random.normal(ks[0], (B, N, D), dtype=jnp.float32),
        'W1w': jax.random.normal(ks[1], (3 * D, D), dtype=jnp.float32) * s,
        'W1b': jnp.zeros((3 * D,), dtype=jnp.float32),
        'W2w': jax.random.normal(ks[2], (D, D), dtype=jnp.float32) * s,
        'W2b': jnp.zeros((D,), dtype=jnp.float32),
        'Wfc': jax.random.normal(ks[3], (E, F, D), dtype=jnp.float32) * s,
        'bfc': jnp.zeros((E, F), dtype=jnp.float32),
        'Wproj': jax.random.normal(ks[4], (E, D, F), dtype=jnp.float32) * s,
        'bproj': jnp.zeros((E, D), dtype=jnp.float32),
        'Wr': jax.random.normal(ks[5], (E, D), dtype=jnp.float32) * s,
        'br': jnp.zeros((E,), dtype=jnp.float32),
        'g1': jnp.ones((D,), dtype=jnp.float32),
        'be1': jnp.zeros((D,), dtype=jnp.float32),
        'g2': jnp.ones((D,), dtype=jnp.float32),
        'be2': jnp.zeros((D,), dtype=jnp.float32),
    }


def _attn(x, W1w, W1b, W2w, W2b):
    Bb, Nn, _ = x.shape
    dh = D // H
    Xp = x @ W1w.T + W1b
    Q, Km, V = jnp.split(Xp, 3, axis=2)
    # reshape(Q): [B,N,H,dh] -> permute(0,2,3,1) -> [B,H,dh,N]
    q = Q.reshape(Bb, Nn, H, dh).transpose(0, 2, 3, 1)
    # reshape(K, k=True): [B,N,H,dh] -> permute(0,2,1,3) -> [B,H,N,dh]
    k = Km.reshape(Bb, Nn, H, dh).transpose(0, 2, 1, 3)
    v = V.reshape(Bb, Nn, H, dh).transpose(0, 2, 3, 1)
    # note: q @ k gives [B,H,dh,dh]; scale by sqrt(N) since q.size(-1)==N (faithful to source)
    w = jnp.matmul(q, k) / math.sqrt(q.shape[-1])
    w = jax.nn.softmax(w, axis=-1)
    out = jnp.matmul(w, v)  # [B,H,dh,N]
    # cat(): raw view to [B,N,H*dh] (reshape, not transpose -- faithful to source)
    out = out.reshape(Bb, Nn, H * dh)
    return out @ W2w.T + W2b


def _layernorm(x, g, b, eps=1e-12):
    # global scalar mean/var over whole tensor (faithful to source); torch.var is unbiased
    mean = jnp.mean(x)
    var = jnp.var(x, ddof=1)
    xn = (x - mean) / jnp.sqrt(var + eps)
    return xn * g + b


def _experts(x, Wfc, bfc, Wproj, bproj, Wr, br):
    Bb, Nn, Dd = x.shape
    scores = x @ Wr.T + br            # [B,N,E]
    scores = scores.mean(axis=1)      # [B,E]
    scores = jax.nn.softmax(scores, axis=1)
    vals, idx = jax.lax.top_k(scores, K)  # [B,K]
    # dense all-expert FFN: outs [B,E,N,D]
    h = gelu(jnp.einsum('bnd,efd->benf', x, Wfc) + bfc[None, :, None, :])
    outs = jnp.einsum('benf,edf->bend', h, Wproj) + bproj[None, :, None, :]
    # faithful replication of torch.gather(outs, 1, idx[B,N,K,D]) semantics:
    # k_outs[b,i,j,d] = outs[b, idx[b,j], j, d]  (token axis indexed by j < K, broadcast over i)
    b_ix = jnp.arange(Bb)[:, None]
    j_ix = jnp.arange(K)[None, :]
    sel = outs[b_ix, idx, j_ix]                      # [B,K,D]
    k_outs = jnp.broadcast_to(sel[:, None, :, :], (Bb, Nn, K, Dd))
    k_vals = jnp.broadcast_to(vals[:, None, :, None], (Bb, Nn, K, Dd))
    return (k_vals * k_outs).sum(axis=2)


def reference(x, W1w, W1b, W2w, W2b, Wfc, bfc, Wproj, bproj, Wr, br, g1, be1, g2, be2):
    a = _attn(x, W1w, W1b, W2w, W2b)
    x = _layernorm(a + x, g1, be1)
    m = _experts(x, Wfc, bfc, Wproj, bproj, Wr, br)
    x = _layernorm(m + x, g2, be2)
    return x

if __name__ == "__main__":
    import jax
    _d = setup_inputs()
    print(jax.jit(kernel)(*tuple(_d.values())))

</pallas_src>

<mosaic_0001>
#map = affine_map<(d0, d1) -> (0)>
module attributes {stable_mosaic.version = 14 : i64} {
  func.func @_router_sc(%arg0: i32, %arg1: i32, %arg2: memref<16xf32, #tpu.memory_space<hbm>>, %arg3: memref<16xf32, #tpu.memory_space<hbm>>, %arg4: memref<8xi32, #tpu.memory_space<hbm>>, %arg5: memref<16xf32, #tpu.memory_space<vmem>>, %arg6: memref<16xf32, #tpu.memory_space<vmem>>, %arg7: memref<16xi32, #tpu.memory_space<vmem>>) attributes {dimension_semantics = [#tpu.dimension_semantics<core_parallel>, #tpu.dimension_semantics<subcore_parallel>], iteration_bounds = array<i64: 1, 1>, scalar_prefetch = 0 : i64, scratch_operands = 3 : i64, tpu.core_type = #tpu.core_type<sc_vector_subcore>, window_params = [{transform_indices = #map}, {transform_indices = #map}, {transform_indices = #map}]} {
    %eq3A = arith.constant 0 : i32
    %eq3A_0 = arith.cmpi eq, %arg0, %eq3A : i32
    %eq3A_1 = arith.constant 0 : i32
    %eq3A_2 = arith.cmpi eq, %arg1, %eq3A_1 : i32
    %and3A = arith.andi %eq3A_0, %eq3A_2 : i1
    %convert_element_type3A = arith.extui %and3A : i1 to i32
    %cond3A = arith.constant 0 : i32
    %cond3A_3 = arith.cmpi ne, %convert_element_type3A, %cond3A : i32
    scf.if %cond3A_3 {
      "tpu.region"() ({
        %run_scoped3A = tpu.sem_alloc : memref<!tpu.dma_semaphore, #tpu.memory_space<semaphore_mem>>
        tpu.enqueue_dma source(%arg2 : memref<16xf32, #tpu.memory_space<hbm>>) target(%arg5 : memref<16xf32, #tpu.memory_space<vmem>>) target_semaphore(%run_scoped3A : memref<!tpu.dma_semaphore, #tpu.memory_space<semaphore_mem>>)
        tpu.wait_dma2 semaphore(%run_scoped3A : memref<!tpu.dma_semaphore, #tpu.memory_space<semaphore_mem>>) src(%arg2 : memref<16xf32, #tpu.memory_space<hbm>>) dst(%arg5 : memref<16xf32, #tpu.memory_space<vmem>>)
        tpu.yield
      }) : () -> ()
      %get3A = arith.constant 0 : index
      %get3A_4 = tpu.vector_load %arg5[%get3A] {strides = array<i32>} : memref<16xf32, #tpu.memory_space<vmem>>, vector<16xf32>,
      %iota3A = tpu.iota {dimensions = array<i32: 0>} : vector<16xi32>
      %masked_sort3A = arith.constant dense<true> : vector<16xi1>
      %masked_sort3A_5, %masked_sort3A_6, %masked_sort3A_7 = tpu.sort %get3A_4, %iota3A masked %masked_sort3A {descending = true} : (vector<16xf32>, vector<16xi32>, vector<16xi1>) -> (vector<16xi1>, vector<16xf32>, vector<16xi32>)
      %swap3A = arith.constant 0 : index
      %swap3A_8 = tpu.vector_load %arg6[%swap3A] {strides = array<i32>} : memref<16xf32, #tpu.memory_space<vmem>>, vector<16xf32>,
      tpu.vector_store %arg6[%swap3A], %masked_sort3A_6 {strides = array<i32>} : memref<16xf32, #tpu.memory_space<vmem>>, vector<16xf32>,
      %swap3A_9 = arith.constant 0 : index
      %swap3A_10 = tpu.vector_load %arg7[%swap3A_9] {strides = array<i32>} : memref<16xi32, #tpu.memory_space<vmem>>, vector<16xi32>,
      tpu.vector_store %arg7[%swap3A_9], %masked_sort3A_7 {strides = array<i32>} : memref<16xi32, #tpu.memory_space<vmem>>, vector<16xi32>,
      "tpu.region"() ({
        %run_scoped3A = tpu.sem_alloc : memref<!tpu.dma_semaphore, #tpu.memory_space<semaphore_mem>>
        tpu.enqueue_dma source(%arg6 : memref<16xf32, #tpu.memory_space<vmem>>) target(%arg3 : memref<16xf32, #tpu.memory_space<hbm>>) target_semaphore(%run_scoped3A : memref<!tpu.dma_semaphore, #tpu.memory_space<semaphore_mem>>)
        tpu.wait_dma2 semaphore(%run_scoped3A : memref<!tpu.dma_semaphore, #tpu.memory_space<semaphore_mem>>) src(%arg6 : memref<16xf32, #tpu.memory_space<vmem>>) dst(%arg3 : memref<16xf32, #tpu.memory_space<hbm>>)
        tpu.yield
      }) : () -> ()
      "tpu.region"() ({
        %run_scoped3A = tpu.sem_alloc : memref<!tpu.dma_semaphore, #tpu.memory_space<semaphore_mem>>
        %dma_start3A = arith.constant 0 : i32
        %dma_start3A_11 = tpu.memref_slice %arg7[%dma_start3A] : memref<16xi32, #tpu.memory_space<vmem>> -> memref<8xi32, #tpu.memory_space<vmem>>
        %dma_start3A_12 = arith.constant 0 : i32
        %dma_start3A_13 = tpu.memref_slice %arg7[%dma_start3A_12] : memref<16xi32, #tpu.memory_space<vmem>> -> memref<8xi32, #tpu.memory_space<vmem>>
        tpu.enqueue_dma source(%dma_start3A_13 : memref<8xi32, #tpu.memory_space<vmem>>) target(%arg4 : memref<8xi32, #tpu.memory_space<hbm>>) target_semaphore(%run_scoped3A : memref<!tpu.dma_semaphore, #tpu.memory_space<semaphore_mem>>)
        %dma_wait3A = arith.constant 0 : i32
        %dma_wait3A_14 = tpu.memref_slice %arg7[%dma_wait3A] : memref<16xi32, #tpu.memory_space<vmem>> -> memref<8xi32, #tpu.memory_space<vmem>>
        %dma_wait3A_15 = arith.constant 0 : i32
        %dma_wait3A_16 = tpu.memref_slice %arg7[%dma_wait3A_15] : memref<16xi32, #tpu.memory_space<vmem>> -> memref<8xi32, #tpu.memory_space<vmem>>
        tpu.wait_dma2 semaphore(%run_scoped3A : memref<!tpu.dma_semaphore, #tpu.memory_space<semaphore_mem>>) src(%dma_wait3A_16 : memref<8xi32, #tpu.memory_space<vmem>>) dst(%arg4 : memref<8xi32, #tpu.memory_space<hbm>>)
        tpu.yield
      }) : () -> ()
    } else {
    }
    return
  }
}

module attributes {stable_mosaic.version = 14 : i64} {
  func.func @_tail(%arg0: i32, %arg1: memref<8xi32, #tpu.memory_space<smem>>, %arg2: memref<512x768xf32, #tpu.memory_space<vmem>>, %arg3: memref<1x768xf32, #tpu.memory_space<vmem>>, %arg4: memref<1x768xf32, #tpu.memory_space<vmem>>, %arg5: memref<1x2xf32, #tpu.memory_space<vmem>>, %arg6: memref<1x16xf32, #tpu.memory_space<vmem>>, %arg7: memref<1x768xf32, #tpu.memory_space<vmem>>, %arg8: memref<1x768xf32, #tpu.memory_space<vmem>>, %arg9: memref<1x768xf32, #tpu.memory_space<vmem>>, %arg10: memref<1x768xf32, #tpu.memory_space<vmem>>, %arg11: memref<1x768x768xf32, #tpu.memory_space<vmem>>, %arg12: memref<1x1x768xf32, #tpu.memory_space<vmem>>, %arg13: memref<1x768x768xf32, #tpu.memory_space<vmem>>, %arg14: memref<1x1x768xf32, #tpu.memory_space<vmem>>, %arg15: memref<512x768xf32, #tpu.memory_space<vmem>>, %arg16: memref<1x768xf32, #tpu.memory_space<vmem>>) attributes {dimension_semantics = [#tpu.dimension_semantics<arbitrary>], iteration_bounds = array<i64: 12>, scalar_prefetch = 1 : i64, scratch_operands = 1 : i64, tpu.core_type = #tpu.core_type<tc>, window_params = [{transform_indices = @transform_0, window_bounds = array<i64: 512, 768>}, {pipeline_mode = #tpu.pipeline_mode<synchronous>, transform_indices = @transform_1, window_bounds = array<i64: 1, 768>}, {pipeline_mode = #tpu.pipeline_mode<synchronous>, transform_indices = @transform_2, window_bounds = array<i64: 1, 768>}, {pipeline_mode = #tpu.pipeline_mode<synchronous>, transform_indices = @transform_3, window_bounds = array<i64: 1, 2>}, {pipeline_mode = #tpu.pipeline_mode<synchronous>, transform_indices = @transform_4, window_bounds = array<i64: 1, 16>}, {pipeline_mode = #tpu.pipeline_mode<synchronous>, transform_indices = @transform_5, window_bounds = array<i64: 1, 768>}, {pipeline_mode = #tpu.pipeline_mode<synchronous>, transform_indices = @transform_6, window_bounds = array<i64: 1, 768>}, {pipeline_mode = #tpu.pipeline_mode<synchronous>, transform_indices = @transform_7, window_bounds = array<i64: 1, 768>}, {pipeline_mode = #tpu.pipeline_mode<synchronous>, transform_indices = @transform_8, window_bounds = array<i64: 1, 768>}, {transform_indices = @transform_9, window_bounds = array<i64: 1, 768, 768>}, {transform_indices = @transform_10, window_bounds = array<i64: 1, 1, 768>}, {transform_indices = @transform_11, window_bounds = array<i64: 1, 768, 768>}, {transform_indices = @transform_12, window_bounds = array<i64: 1, 1, 768>}, {transform_indices = @transform_13, window_bounds = array<i64: 512, 768>}]} {
    %eq3A = arith.constant 0 : i32
    %eq3A_0 = arith.cmpi eq, %arg0, %eq3A : i32
    %convert_element_type3A = arith.extui %eq3A_0 : i1 to i32
    %cond3A = arith.constant 0 : i32
    %cond3A_1 = arith.cmpi ne, %convert_element_type3A, %cond3A : i32
    scf.if %cond3A_1 {
      %broadcast_in_dim3A = arith.constant 0.000000e+00 : f32
      %broadcast_in_dim3A_10 = vector.broadcast %broadcast_in_dim3A : f32 to vector<1x768xf32>
      %swap3A = arith.constant 0 : index
      %swap3A_11 = arith.constant 0 : index
      %swap3A_12 = vector.load %arg16[%swap3A, %swap3A_11] : memref<1x768xf32, #tpu.memory_space<vmem>>, vector<1x768xf32>
      tpu.vector_store %arg16[%swap3A, %swap3A_11], %broadcast_in_dim3A_10 {strides = array<i32>} : memref<1x768xf32, #tpu.memory_space<vmem>>, vector<1x768xf32>,
    } else {
    }
    %lt3A = arith.constant 8 : i32
    %lt3A_2 = arith.cmpi slt, %arg0, %lt3A : i32
    %convert_element_type3A_3 = arith.extui %lt3A_2 : i1 to i32
    %cond3A_4 = arith.constant 0 : i32
    %cond3A_5 = arith.cmpi ne, %convert_element_type3A_3, %cond3A_4 : i32
    scf.if %cond3A_5 {
      %jit3A = arith.constant 4 : i32
      %div3A = arith.divsi %arg0, %jit3A : i32
      %sign3A = arith.constant 0 : i32
      %sign3A_10 = arith.cmpi sgt, %arg0, %sign3A : i32
      %sign3A_11 = arith.extui %sign3A_10 : i1 to i32
      %sign3A_12 = arith.constant 0 : i32
      %sign3A_13 = arith.cmpi slt, %arg0, %sign3A_12 : i32
      %sign3A_14 = arith.extui %sign3A_13 : i1 to i32
      %sign3A_15 = arith.subi %sign3A_11, %sign3A_14 : i32
      %sign3A_16 = arith.constant 0 : i32
      %sign3A_17 = arith.cmpi sgt, %jit3A, %sign3A_16 : i32
      %sign3A_18 = arith.extui %sign3A_17 : i1 to i32
      %sign3A_19 = arith.constant 0 : i32
      %sign3A_20 = arith.cmpi slt, %jit3A, %sign3A_19 : i32
      %sign3A_21 = arith.extui %sign3A_20 : i1 to i32
      %sign3A_22 = arith.subi %sign3A_18, %sign3A_21 : i32
      %ne3A = arith.cmpi ne, %sign3A_15, %sign3A_22 : i32
      %rem3A = arith.remsi %arg0, %jit3A : i32
      %ne3A_23 = arith.constant 0 : i32
      %ne3A_24 = arith.cmpi ne, %rem3A, %ne3A_23 : i32
      %and3A = arith.andi %ne3A, %ne3A_24 : i1
      %sub3A = arith.constant 1 : i32
      %sub3A_25 = arith.subi %div3A, %sub3A : i32
      %select_n3A = arith.select %and3A, %sub3A_25, %div3A : i32
      %jit3A_26 = arith.constant 4 : i32
      %eq3A_27 = arith.constant 0 : i32
      %eq3A_28 = arith.cmpi eq, %jit3A_26, %eq3A_27 : i32
      %jit3A_29 = arith.constant 1 : i32
      %select_n3A_30 = arith.select %eq3A_28, %jit3A_29, %jit3A_26 : i32
      %rem3A_31 = arith.remsi %arg0, %select_n3A_30 : i32
      %ne3A_32 = arith.constant 0 : i32
      %ne3A_33 = arith.cmpi ne, %rem3A_31, %ne3A_32 : i32
      %lt3A_34 = arith.constant 0 : i32
      %lt3A_35 = arith.cmpi slt, %rem3A_31, %lt3A_34 : i32
      %lt3A_36 = arith.constant 0 : i32
      %lt3A_37 = arith.cmpi slt, %select_n3A_30, %lt3A_36 : i32
      %ne3A_38 = arith.xori %lt3A_35, %lt3A_37 : i1
      %and3A_39 = arith.andi %ne3A_38, %ne3A_33 : i1
      %add3A = arith.addi %rem3A_31, %select_n3A_30 : i32
      %select_n3A_40 = arith.select %and3A_39, %add3A, %rem3A_31 : i32
      %get3A = arith.constant 0 : index
      %get3A_41 = arith.constant 0 : index
      %get3A_42 = vector.load %arg5[%get3A, %get3A_41] : memref<1x2xf32, #tpu.memory_space<vmem>>, vector<1x1xf32>
      %get3A_43 = arith.constant 0 : index
      %get3A_44 = arith.constant 1 : index
      %get3A_45 = vector.load %arg5[%get3A_43, %get3A_44] : memref<1x2xf32, #tpu.memory_space<vmem>>, vector<1x1xf32>
      %eq3A_46 = arith.constant 0 : i32
      %eq3A_47 = arith.cmpi eq, %select_n3A, %eq3A_46 : i32
      %get3A_48 = arith.constant 0 : index
      %get3A_49 = arith.constant 0 : index
      %get3A_50 = vector.load %arg6[%get3A_48, %get3A_49] : memref<1x16xf32, #tpu.memory_space<vmem>>, vector<1x1xf32>
      %get3A_51 = arith.constant 0 : index
      %get3A_52 = arith.constant 1 : index
      %get3A_53 = vector.load %arg6[%get3A_51, %get3A_52] : memref<1x16xf32, #tpu.memory_space<vmem>>, vector<1x1xf32>
      %select_n3A_54 = arith.select %eq3A_47, %get3A_50, %get3A_53 : vector<1x1xf32>
      %eq3A_55 = arith.constant 0 : i32
      %eq3A_56 = arith.cmpi eq, %select_n3A, %eq3A_55 : i32
      %get3A_57 = arith.constant 0 : index
      %get3A_58 = arith.constant 0 : index
      %get3A_59 = vector.load %arg2[%get3A_57, %get3A_58] : memref<512x768xf32, #tpu.memory_space<vmem>>, vector<1x768xf32>
      %get3A_60 = arith.constant 1 : index
      %get3A_61 = arith.constant 0 : index
      %get3A_62 = vector.load %arg2[%get3A_60, %get3A_61] : memref<512x768xf32, #tpu.memory_space<vmem>>, vector<1x768xf32>
      %select_n3A_63 = arith.select %eq3A_56, %get3A_59, %get3A_62 : vector<1x768xf32>
      %sub3A_64 = vector.broadcast %get3A_42 : vector<1x1xf32> to vector<1x768xf32>
      %sub3A_65 = arith.subf %select_n3A_63, %sub3A_64 : vector<1x768xf32>
      %mul3A = vector.broadcast %get3A_45 : vector<1x1xf32> to vector<1x768xf32>
      %mul3A_66 = arith.mulf %sub3A_65, %mul3A : vector<1x768xf32>
      %get3A_67 = arith.constant 0 : index
      %get3A_68 = arith.constant 0 : index
      %get3A_69 = vector.load %arg7[%get3A_67, %get3A_68] : memref<1x768xf32, #tpu.memory_space<vmem>>, vector<1x768xf32>
      %mul3A_70 = arith.mulf %mul3A_66, %get3A_69 : vector<1x768xf32>
      %get3A_71 = arith.constant 0 : index
      %get3A_72 = arith.constant 0 : index
      %get3A_73 = vector.load %arg8[%get3A_71, %get3A_72] : memref<1x768xf32, #tpu.memory_space<vmem>>, vector<1x768xf32>
      %add3A_74 = arith.addf %mul3A_70, %get3A_73 : vector<1x768xf32>
      %get3A_75 = arith.constant 0 : index
      %get3A_76 = arith.constant 0 : index
      %get3A_77 = arith.constant 0 : index
      %get3A_78 = vector.load %arg11[%get3A_75, %get3A_76, %get3A_77] : memref<1x768x768xf32, #tpu.memory_space<vmem>>, vector<1x768x768xf32>
      %get3A_79 = vector.shape_cast %get3A_78 : vector<1x768x768xf32> to vector<768x768xf32>
      %dot_general3A = arith.constant dense<0.000000e+00> : vector<1x768xf32>
      %dot_general3A_80 = tpu.matmul %add3A_74, %get3A_79, %dot_general3A {dimension_numbers = #tpu.dot_dimension_numbers<[1], [1], [0], [0], [0, 0, 1, 0], [], []>, transpose_lhs_hint = false} : vector<1x768xf32>, vector<768x768xf32>, vector<1x768xf32> -> vector<1x768xf32>
      %get3A_81 = arith.constant 0 : index
      %get3A_82 = arith.constant 0 : index
      %get3A_83 = arith.constant 0 : index
      %get3A_84 = vector.load %arg12[%get3A_81, %get3A_82, %get3A_83] : memref<1x1x768xf32, #tpu.memory_space<vmem>>, vector<1x1x768xf32>
      %get3A_85 = vector.shape_cast %get3A_84 : vector<1x1x768xf32> to vector<1x768xf32>
      %add3A_86 = arith.addf %dot_general3A_80, %get3A_85 : vector<1x768xf32>
      %mul3A_87 = arith.constant 4.471500e-02 : f32
      %mul3A_88 = vector.broadcast %mul3A_87 : f32 to vector<1x768xf32>
      %mul3A_89 = arith.mulf %mul3A_88, %add3A_86 : vector<1x768xf32>
      %mul3A_90 = arith.mulf %mul3A_89, %add3A_86 : vector<1x768xf32>
      %mul3A_91 = arith.mulf %mul3A_90, %add3A_86 : vector<1x768xf32>
      %add3A_92 = arith.addf %add3A_86, %mul3A_91 : vector<1x768xf32>
      %mul3A_93 = arith.constant 0.797884583 : f32
      %mul3A_94 = vector.broadcast %mul3A_93 : f32 to vector<1x768xf32>
      %mul3A_95 = arith.mulf %mul3A_94, %add3A_92 : vector<1x768xf32>
      %mul3A_96 = arith.constant 5.000000e-01 : f32
      %mul3A_97 = vector.broadcast %mul3A_96 : f32 to vector<1x768xf32>
      %mul3A_98 = arith.mulf %mul3A_97, %add3A_86 : vector<1x768xf32>
      %tanh3A = math.tanh %mul3A_95 : vector<1x768xf32>
      %add3A_99 = arith.constant 1.000000e+00 : f32
      %add3A_100 = vector.broadcast %add3A_99 : f32 to vector<1x768xf32>
      %add3A_101 = arith.addf %add3A_100, %tanh3A : vector<1x768xf32>
      %mul3A_102 = arith.mulf %mul3A_98, %add3A_101 : vector<1x768xf32>
      %get3A_103 = arith.constant 0 : index
      %get3A_104 = arith.constant 0 : index
      %get3A_105 = arith.constant 0 : index
      %get3A_106 = vector.load %arg13[%get3A_103, %get3A_104, %get3A_105] : memref<1x768x768xf32, #tpu.memory_space<vmem>>, vector<1x768x768xf32>
      %get3A_107 = vector.shape_cast %get3A_106 : vector<1x768x768xf32> to vector<768x768xf32>
      %dot_general3A_108 = arith.constant dense<0.000000e+00> : vector<1x768xf32>
      %dot_general3A_109 = tpu.matmul %mul3A_102, %get3A_107, %dot_general3A_108 {dimension_numbers = #tpu.dot_dimension_numbers<[1], [1], [0], [0], [0, 0, 1, 0], [], []>, transpose_lhs_hint = false} : vector<1x768xf32>, vector<768x768xf32>, vector<1x768xf32> -> vector<1x768xf32>
      %get3A_110 = arith.constant 0 : index
      %get3A_111 = arith.constant 0 : index
      %get3A_112 = vector.load %arg16[%get3A_110, %get3A_111] : memref<1x768xf32, #tpu.memory_space<vmem>>, vector<1x768xf32>
      %mul3A_113 = vector.broadcast %select_n3A_54 : vector<1x1xf32> to vector<1x768xf32>
      %mul3A_114 = arith.mulf %mul3A_113, %dot_general3A_109 : vector<1x768xf32>
      %add3A_115 = arith.addf %get3A_112, %mul3A_114 : vector<1x768xf32>
      %swap3A = arith.constant 0 : index
      %swap3A_116 = arith.constant 0 : index
      %swap3A_117 = vector.load %arg16[%swap3A, %swap3A_116] : memref<1x768xf32, #tpu.memory_space<vmem>>, vector<1x768xf32>
      tpu.vector_store %arg16[%swap3A, %swap3A_116], %add3A_115 {strides = array<i32>} : memref<1x768xf32, #tpu.memory_space<vmem>>, vector<1x768xf32>,
      %eq3A_118 = arith.constant 0 : i32
      %eq3A_119 = arith.cmpi eq, %select_n3A_40, %eq3A_118 : i32
      %convert_element_type3A_120 = arith.extui %eq3A_119 : i1 to i32
      %cond3A_121 = arith.constant 0 : i32
      %cond3A_122 = arith.cmpi ne, %convert_element_type3A_120, %cond3A_121 : i32
      scf.if %cond3A_122 {
        %get3A_123 = arith.constant 0 : index
        %get3A_124 = arith.constant 0 : index
        %get3A_125 = vector.load %arg16[%get3A_123, %get3A_124] : memref<1x768xf32, #tpu.memory_space<vmem>>, vector<1x768xf32>
        %get3A_126 = arith.constant 0 : index
        %get3A_127 = arith.constant 0 : index
        %get3A_128 = arith.constant 0 : index
        %get3A_129 = vector.load %arg14[%get3A_126, %get3A_127, %get3A_128] : memref<1x1x768xf32, #tpu.memory_space<vmem>>, vector<1x1x768xf32>
        %get3A_130 = vector.shape_cast %get3A_129 : vector<1x1x768xf32> to vector<1x768xf32>
        %mul3A_131 = vector.broadcast %select_n3A_54 : vector<1x1xf32> to vector<1x768xf32>
        %mul3A_132 = arith.mulf %mul3A_131, %get3A_130 : vector<1x768xf32>
        %add3A_133 = arith.addf %get3A_125, %mul3A_132 : vector<1x768xf32>
        %swap3A_134 = arith.constant 0 : index
        %swap3A_135 = arith.constant 0 : index
        %swap3A_136 = vector.load %arg16[%swap3A_134, %swap3A_135] : memref<1x768xf32, #tpu.memory_space<vmem>>, vector<1x768xf32>
        tpu.vector_store %arg16[%swap3A_134, %swap3A_135], %add3A_133 {strides = array<i32>} : memref<1x768xf32, #tpu.memory_space<vmem>>, vector<1x768xf32>,
      } else {
      }
    } else {
    }
    %ge3A = arith.constant 8 : i32
    %ge3A_6 = arith.cmpi sge, %arg0, %ge3A : i32
    %convert_element_type3A_7 = arith.extui %ge3A_6 : i1 to i32
    %cond3A_8 = arith.constant 0 : i32
    %cond3A_9 = arith.cmpi ne, %convert_element_type3A_7, %cond3A_8 : i32
    scf.if %cond3A_9 {
      %get3A = arith.constant 0 : index
      %get3A_10 = arith.constant 0 : index
      %get3A_11 = vector.load %arg3[%get3A, %get3A_10] : memref<1x768xf32, #tpu.memory_space<vmem>>, vector<1x768xf32>
      %reduce_sum3A = vector.shape_cast %get3A_11 : vector<1x768xf32> to vector<1x1x768xf32>
      %reduce_sum3A_12 = arith.constant dense<0.000000e+00> : vector<1xf32>
      %reduce_sum3A_13 = vector.multi_reduction <add>, %reduce_sum3A, %reduce_sum3A_12 [1, 2] : vector<1x1x768xf32> to vector<1xf32>
      %reduce_sum3A_14 = vector.shape_cast %reduce_sum3A_13 : vector<1xf32> to vector<1x1x1xf32>
      %reduce_sum3A_15 = vector.extract %reduce_sum3A_14[0, 0, 0] : f32 from vector<1x1x1xf32>
      %div3A = arith.constant 0x49C00000 : f32
      %div3A_16 = arith.divf %reduce_sum3A_15, %div3A : f32
      %get3A_17 = arith.constant 0 : index
      %get3A_18 = arith.constant 0 : index
      %get3A_19 = vector.load %arg4[%get3A_17, %get3A_18] : memref<1x768xf32, #tpu.memory_space<vmem>>, vector<1x768xf32>
      %reduce_sum3A_20 = vector.shape_cast %get3A_19 : vector<1x768xf32> to vector<1x1x768xf32>
      %reduce_sum3A_21 = arith.constant dense<0.000000e+00> : vector<1xf32>
      %reduce_sum3A_22 = vector.multi_reduction <add>, %reduce_sum3A_20, %reduce_sum3A_21 [1, 2] : vector<1x1x768xf32> to vector<1xf32>
      %reduce_sum3A_23 = vector.shape_cast %reduce_sum3A_22 : vector<1xf32> to vector<1x1x1xf32>
      %reduce_sum3A_24 = vector.extract %reduce_sum3A_23[0, 0, 0] : f32 from vector<1x1x1xf32>
      %mul3A = arith.constant 0x49C00000 : f32
      %mul3A_25 = arith.mulf %mul3A, %div3A_16 : f32
      %mul3A_26 = arith.mulf %mul3A_25, %div3A_16 : f32
      %sub3A = arith.subf %reduce_sum3A_24, %mul3A_26 : f32
      %div3A_27 = arith.constant 0x49BFFFF8 : f32
      %div3A_28 = arith.divf %sub3A, %div3A_27 : f32
      %add3A = arith.constant 9.99999996E-13 : f32
      %add3A_29 = arith.addf %div3A_28, %add3A : f32
      %sqrt3A = math.sqrt %add3A_29 : f32
      %div3A_30 = arith.constant 1.000000e+00 : f32
      %div3A_31 = arith.divf %div3A_30, %sqrt3A : f32
      %get3A_32 = arith.constant 0 : index
      %get3A_33 = arith.constant 0 : index
      %get3A_34 = vector.load %arg7[%get3A_32, %get3A_33] : memref<1x768xf32, #tpu.memory_space<vmem>>, vector<1x768xf32>
      %mul3A_35 = vector.broadcast %div3A_31 : f32 to vector<1x768xf32>
      %mul3A_36 = arith.mulf %mul3A_35, %get3A_34 : vector<1x768xf32>
      %get3A_37 = arith.constant 0 : index
      %get3A_38 = arith.constant 0 : index
      %get3A_39 = vector.load %arg8[%get3A_37, %get3A_38] : memref<1x768xf32, #tpu.memory_space<vmem>>, vector<1x768xf32>
      %get3A_40 = arith.constant 0 : index
      %get3A_41 = arith.constant 0 : index
      %get3A_42 = vector.load %arg16[%get3A_40, %get3A_41] : memref<1x768xf32, #tpu.memory_space<vmem>>, vector<1x768xf32>
      %add3A_43 = arith.addf %get3A_39, %get3A_42 : vector<1x768xf32>
      %mul3A_44 = vector.broadcast %div3A_16 : f32 to vector<1x768xf32>
      %mul3A_45 = arith.mulf %mul3A_44, %mul3A_36 : vector<1x768xf32>
      %sub3A_46 = arith.subf %add3A_43, %mul3A_45 : vector<1x768xf32>
      %get3A_47 = arith.constant 0 : index
      %get3A_48 = arith.constant 0 : index
      %get3A_49 = vector.load %arg3[%get3A_47, %get3A_48] : memref<1x768xf32, #tpu.memory_space<vmem>>, vector<1x768xf32>
      %mul3A_50 = arith.mulf %mul3A_36, %get3A_49 : vector<1x768xf32>
      %mul3A_51 = arith.constant 2.048000e+03 : f32
      %mul3A_52 = vector.broadcast %mul3A_51 : f32 to vector<1x768xf32>
      %mul3A_53 = arith.mulf %mul3A_52, %sub3A_46 : vector<1x768xf32>
      %add3A_54 = arith.addf %mul3A_50, %mul3A_53 : vector<1x768xf32>
      %reduce_sum3A_55 = vector.shape_cast %add3A_54 : vector<1x768xf32> to vector<1x1x768xf32>
      %reduce_sum3A_56 = arith.constant dense<0.000000e+00> : vector<1xf32>
      %reduce_sum3A_57 = vector.multi_reduction <add>, %reduce_sum3A_55, %reduce_sum3A_56 [1, 2] : vector<1x1x768xf32> to vector<1xf32>
      %reduce_sum3A_58 = vector.shape_cast %reduce_sum3A_57 : vector<1xf32> to vector<1x1x1xf32>
      %reduce_sum3A_59 = vector.extract %reduce_sum3A_58[0, 0, 0] : f32 from vector<1x1x1xf32>
      %mul3A_60 = arith.mulf %mul3A_36, %mul3A_36 : vector<1x768xf32>
      %get3A_61 = arith.constant 0 : index
      %get3A_62 = arith.constant 0 : index
      %get3A_63 = vector.load %arg4[%get3A_61, %get3A_62] : memref<1x768xf32, #tpu.memory_space<vmem>>, vector<1x768xf32>
      %mul3A_64 = arith.mulf %mul3A_60, %get3A_63 : vector<1x768xf32>
      %mul3A_65 = arith.constant 2.000000e+00 : f32
      %mul3A_66 = vector.broadcast %mul3A_65 : f32 to vector<1x768xf32>
      %mul3A_67 = arith.mulf %mul3A_66, %mul3A_36 : vector<1x768xf32>
      %mul3A_68 = arith.mulf %mul3A_67, %sub3A_46 : vector<1x768xf32>
      %get3A_69 = arith.constant 0 : index
      %get3A_70 = arith.constant 0 : index
      %get3A_71 = vector.load %arg3[%get3A_69, %get3A_70] : memref<1x768xf32, #tpu.memory_space<vmem>>, vector<1x768xf32>
      %mul3A_72 = arith.mulf %mul3A_68, %get3A_71 : vector<1x768xf32>
      %add3A_73 = arith.addf %mul3A_64, %mul3A_72 : vector<1x768xf32>
      %mul3A_74 = arith.constant 2.048000e+03 : f32
      %mul3A_75 = vector.broadcast %mul3A_74 : f32 to vector<1x768xf32>
      %mul3A_76 = arith.mulf %mul3A_75, %sub3A_46 : vector<1x768xf32>
      %mul3A_77 = arith.mulf %mul3A_76, %sub3A_46 : vector<1x768xf32>
      %add3A_78 = arith.addf %add3A_73, %mul3A_77 : vector<1x768xf32>
      %reduce_sum3A_79 = vector.shape_cast %add3A_78 : vector<1x768xf32> to vector<1x1x768xf32>
      %reduce_sum3A_80 = arith.constant dense<0.000000e+00> : vector<1xf32>
      %reduce_sum3A_81 = vector.multi_reduction <add>, %reduce_sum3A_79, %reduce_sum3A_80 [1, 2] : vector<1x1x768xf32> to vector<1xf32>
      %reduce_sum3A_82 = vector.shape_cast %reduce_sum3A_81 : vector<1xf32> to vector<1x1x1xf32>
      %reduce_sum3A_83 = vector.extract %reduce_sum3A_82[0, 0, 0] : f32 from vector<1x1x1xf32>
      %div3A_84 = arith.constant 0x49C00000 : f32
      %div3A_85 = arith.divf %reduce_sum3A_59, %div3A_84 : f32
      %mul3A_86 = arith.constant 0x49C00000 : f32
      %mul3A_87 = arith.mulf %mul3A_86, %div3A_85 : f32
      %mul3A_88 = arith.mulf %mul3A_87, %div3A_85 : f32
      %sub3A_89 = arith.subf %reduce_sum3A_83, %mul3A_88 : f32
      %div3A_90 = arith.constant 0x49BFFFF8 : f32
      %div3A_91 = arith.divf %sub3A_89, %div3A_90 : f32
      %add3A_92 = arith.constant 9.99999996E-13 : f32
      %add3A_93 = arith.addf %div3A_91, %add3A_92 : f32
      %sqrt3A_94 = math.sqrt %add3A_93 : f32
      %div3A_95 = arith.constant 1.000000e+00 : f32
      %div3A_96 = arith.divf %div3A_95, %sqrt3A_94 : f32
      %get3A_97 = arith.constant 0 : index
      %get3A_98 = arith.constant 0 : index
      %get3A_99 = vector.load %arg2[%get3A_97, %get3A_98] : memref<512x768xf32, #tpu.memory_space<vmem>>, vector<512x768xf32>
      %mul3A_100 = vector.broadcast %mul3A_36 : vector<1x768xf32> to vector<512x768xf32>
      %mul3A_101 = arith.mulf %get3A_99, %mul3A_100 : vector<512x768xf32>
      %add3A_102 = vector.broadcast %sub3A_46 : vector<1x768xf32> to vector<512x768xf32>
      %add3A_103 = arith.addf %mul3A_101, %add3A_102 : vector<512x768xf32>
      %sub3A_104 = vector.broadcast %div3A_85 : f32 to vector<512x768xf32>
      %sub3A_105 = arith.subf %add3A_103, %sub3A_104 : vector<512x768xf32>
      %mul3A_106 = vector.broadcast %div3A_96 : f32 to vector<512x768xf32>
      %mul3A_107 = arith.mulf %sub3A_105, %mul3A_106 : vector<512x768xf32>
      %get3A_108 = arith.constant 0 : index
      %get3A_109 = arith.constant 0 : index
      %get3A_110 = vector.load %arg9[%get3A_108, %get3A_109] : memref<1x768xf32, #tpu.memory_space<vmem>>, vector<1x768xf32>
      %mul3A_111 = vector.broadcast %get3A_110 : vector<1x768xf32> to vector<512x768xf32>
      %mul3A_112 = arith.mulf %mul3A_107, %mul3A_111 : vector<512x768xf32>
      %get3A_113 = arith.constant 0 : index
      %get3A_114 = arith.constant 0 : index
      %get3A_115 = vector.load %arg10[%get3A_113, %get3A_114] : memref<1x768xf32, #tpu.memory_space<vmem>>, vector<1x768xf32>
      %add3A_116 = vector.broadcast %get3A_115 : vector<1x768xf32> to vector<512x768xf32>
      %add3A_117 = arith.addf %mul3A_112, %add3A_116 : vector<512x768xf32>
      %swap3A = arith.constant 0 : index
      %swap3A_118 = arith.constant 0 : index
      %swap3A_119 = vector.load %arg15[%swap3A, %swap3A_118] : memref<512x768xf32, #tpu.memory_space<vmem>>, vector<512x768xf32>
      tpu.vector_store %arg15[%swap3A, %swap3A_118], %add3A_117 {strides = array<i32>} : memref<512x768xf32, #tpu.memory_space<vmem>>, vector<512x768xf32>,
    } else {
    }
    return
  }
  func.func @transform_0(%arg0: i32, %arg1: memref<8xi32, #tpu.memory_space<smem>>) -> (i32, i32) {
    %lt3A = arith.constant 8 : i32
    %lt3A_0 = arith.cmpi slt, %arg0, %lt3A : i32
    %sub3A = arith.constant 8 : i32
    %sub3A_1 = arith.subi %arg0, %sub3A : i32
    %jit3A = arith.constant 0 : i32
    %select_n3A = arith.select %lt3A_0, %jit3A, %sub3A_1 : i32
    %c0_i32 = arith.constant 0 : i32
    %c0_i32_2 = arith.constant 0 : i32
    return %select_n3A, %c0_i32 : i32, i32
  }
  func.func @transform_1(%arg0: i32, %arg1: memref<8xi32, #tpu.memory_space<smem>>) -> (i32, i32) {
    %c0_i32 = arith.constant 0 : i32
    %c0_i32_0 = arith.constant 0 : i32
    %c0_i32_1 = arith.constant 0 : i32
    return %c0_i32, %c0_i32_0 : i32, i32
  }
  func.func @transform_2(%arg0: i32, %arg1: memref<8xi32, #tpu.memory_space<smem>>) -> (i32, i32) {
    %c0_i32 = arith.constant 0 : i32
    %c0_i32_0 = arith.constant 0 : i32
    %c0_i32_1 = arith.constant 0 : i32
    return %c0_i32, %c0_i32_0 : i32, i32
  }
  func.func @transform_3(%arg0: i32, %arg1: memref<8xi32, #tpu.memory_space<smem>>) -> (i32, i32) {
    %c0_i32 = arith.constant 0 : i32
    %c0_i32_0 = arith.constant 0 : i32
    %c0_i32_1 = arith.constant 0 : i32
    return %c0_i32, %c0_i32_0 : i32, i32
  }
  func.func @transform_4(%arg0: i32, %arg1: memref<8xi32, #tpu.memory_space<smem>>) -> (i32, i32) {
    %c0_i32 = arith.constant 0 : i32
    %c0_i32_0 = arith.constant 0 : i32
    %c0_i32_1 = arith.constant 0 : i32
    return %c0_i32, %c0_i32_0 : i32, i32
  }
  func.func @transform_5(%arg0: i32, %arg1: memref<8xi32, #tpu.memory_space<smem>>) -> (i32, i32) {
    %c0_i32 = arith.constant 0 : i32
    %c0_i32_0 = arith.constant 0 : i32
    %c0_i32_1 = arith.constant 0 : i32
    return %c0_i32, %c0_i32_0 : i32, i32
  }
  func.func @transform_6(%arg0: i32, %arg1: memref<8xi32, #tpu.memory_space<smem>>) -> (i32, i32) {
    %c0_i32 = arith.constant 0 : i32
    %c0_i32_0 = arith.constant 0 : i32
    %c0_i32_1 = arith.constant 0 : i32
    return %c0_i32, %c0_i32_0 : i32, i32
  }
  func.func @transform_7(%arg0: i32, %arg1: memref<8xi32, #tpu.memory_space<smem>>) -> (i32, i32) {
    %c0_i32 = arith.constant 0 : i32
    %c0_i32_0 = arith.constant 0 : i32
    %c0_i32_1 = arith.constant 0 : i32
    return %c0_i32, %c0_i32_0 : i32, i32
  }
  func.func @transform_8(%arg0: i32, %arg1: memref<8xi32, #tpu.memory_space<smem>>) -> (i32, i32) {
    %c0_i32 = arith.constant 0 : i32
    %c0_i32_0 = arith.constant 0 : i32
    %c0_i32_1 = arith.constant 0 : i32
    return %c0_i32, %c0_i32_0 : i32, i32
  }
  func.func @transform_9(%arg0: i32, %arg1: memref<8xi32, #tpu.memory_space<smem>>) -> (i32, i32, i32) {
    %lt3A = arith.constant 8 : i32
    %lt3A_0 = arith.cmpi slt, %arg0, %lt3A : i32
    %jit3A = arith.constant 4 : i32
    %div3A = arith.divsi %arg0, %jit3A : i32
    %sign3A = arith.constant 0 : i32
    %sign3A_1 = arith.cmpi sgt, %arg0, %sign3A : i32
    %sign3A_2 = arith.extui %sign3A_1 : i1 to i32
    %sign3A_3 = arith.constant 0 : i32
    %sign3A_4 = arith.cmpi slt, %arg0, %sign3A_3 : i32
    %sign3A_5 = arith.extui %sign3A_4 : i1 to i32
    %sign3A_6 = arith.subi %sign3A_2, %sign3A_5 : i32
    %sign3A_7 = arith.constant 0 : i32
    %sign3A_8 = arith.cmpi sgt, %jit3A, %sign3A_7 : i32
    %sign3A_9 = arith.extui %sign3A_8 : i1 to i32
    %sign3A_10 = arith.constant 0 : i32
    %sign3A_11 = arith.cmpi slt, %jit3A, %sign3A_10 : i32
    %sign3A_12 = arith.extui %sign3A_11 : i1 to i32
    %sign3A_13 = arith.subi %sign3A_9, %sign3A_12 : i32
    %ne3A = arith.cmpi ne, %sign3A_6, %sign3A_13 : i32
    %rem3A = arith.remsi %arg0, %jit3A : i32
    %ne3A_14 = arith.constant 0 : i32
    %ne3A_15 = arith.cmpi ne, %rem3A, %ne3A_14 : i32
    %and3A = arith.andi %ne3A, %ne3A_15 : i1
    %sub3A = arith.constant 1 : i32
    %sub3A_16 = arith.subi %div3A, %sub3A : i32
    %select_n3A = arith.select %and3A, %sub3A_16, %div3A : i32
    %jit3A_17 = arith.constant 1 : i32
    %select_n3A_18 = arith.select %lt3A_0, %select_n3A, %jit3A_17 : i32
    %get3A = arith.index_cast %select_n3A_18 : i32 to index
    %get3A_19 = memref.load %arg1[%get3A] : memref<8xi32, #tpu.memory_space<smem>>
    %lt3A_20 = arith.constant 8 : i32
    %lt3A_21 = arith.cmpi slt, %arg0, %lt3A_20 : i32
    %jit3A_22 = arith.constant 4 : i32
    %eq3A = arith.constant 0 : i32
    %eq3A_23 = arith.cmpi eq, %jit3A_22, %eq3A : i32
    %jit3A_24 = arith.constant 1 : i32
    %select_n3A_25 = arith.select %eq3A_23, %jit3A_24, %jit3A_22 : i32
    %rem3A_26 = arith.remsi %arg0, %select_n3A_25 : i32
    %ne3A_27 = arith.constant 0 : i32
    %ne3A_28 = arith.cmpi ne, %rem3A_26, %ne3A_27 : i32
    %lt3A_29 = arith.constant 0 : i32
    %lt3A_30 = arith.cmpi slt, %rem3A_26, %lt3A_29 : i32
    %lt3A_31 = arith.constant 0 : i32
    %lt3A_32 = arith.cmpi slt, %select_n3A_25, %lt3A_31 : i32
    %ne3A_33 = arith.xori %lt3A_30, %lt3A_32 : i1
    %and3A_34 = arith.andi %ne3A_33, %ne3A_28 : i1
    %add3A = arith.addi %rem3A_26, %select_n3A_25 : i32
    %select_n3A_35 = arith.select %and3A_34, %add3A, %rem3A_26 : i32
    %jit3A_36 = arith.constant 3 : i32
    %select_n3A_37 = arith.select %lt3A_21, %select_n3A_35, %jit3A_36 : i32
    %c0_i32 = arith.constant 0 : i32
    %c0_i32_38 = arith.constant 0 : i32
    return %get3A_19, %select_n3A_37, %c0_i32 : i32, i32, i32
  }
  func.func @transform_10(%arg0: i32, %arg1: memref<8xi32, #tpu.memory_space<smem>>) -> (i32, i32, i32) {
    %lt3A = arith.constant 8 : i32
    %lt3A_0 = arith.cmpi slt, %arg0, %lt3A : i32
    %jit3A = arith.constant 4 : i32
    %div3A = arith.divsi %arg0, %jit3A : i32
    %sign3A = arith.constant 0 : i32
    %sign3A_1 = arith.cmpi sgt, %arg0, %sign3A : i32
    %sign3A_2 = arith.extui %sign3A_1 : i1 to i32
    %sign3A_3 = arith.constant 0 : i32
    %sign3A_4 = arith.cmpi slt, %arg0, %sign3A_3 : i32
    %sign3A_5 = arith.extui %sign3A_4 : i1 to i32
    %sign3A_6 = arith.subi %sign3A_2, %sign3A_5 : i32
    %sign3A_7 = arith.constant 0 : i32
    %sign3A_8 = arith.cmpi sgt, %jit3A, %sign3A_7 : i32
    %sign3A_9 = arith.extui %sign3A_8 : i1 to i32
    %sign3A_10 = arith.constant 0 : i32
    %sign3A_11 = arith.cmpi slt, %jit3A, %sign3A_10 : i32
    %sign3A_12 = arith.extui %sign3A_11 : i1 to i32
    %sign3A_13 = arith.subi %sign3A_9, %sign3A_12 : i32
    %ne3A = arith.cmpi ne, %sign3A_6, %sign3A_13 : i32
    %rem3A = arith.remsi %arg0, %jit3A : i32
    %ne3A_14 = arith.constant 0 : i32
    %ne3A_15 = arith.cmpi ne, %rem3A, %ne3A_14 : i32
    %and3A = arith.andi %ne3A, %ne3A_15 : i1
    %sub3A = arith.constant 1 : i32
    %sub3A_16 = arith.subi %div3A, %sub3A : i32
    %select_n3A = arith.select %and3A, %sub3A_16, %div3A : i32
    %jit3A_17 = arith.constant 1 : i32
    %select_n3A_18 = arith.select %lt3A_0, %select_n3A, %jit3A_17 : i32
    %get3A = arith.index_cast %select_n3A_18 : i32 to index
    %get3A_19 = memref.load %arg1[%get3A] : memref<8xi32, #tpu.memory_space<smem>>
    %lt3A_20 = arith.constant 8 : i32
    %lt3A_21 = arith.cmpi slt, %arg0, %lt3A_20 : i32
    %jit3A_22 = arith.constant 4 : i32
    %eq3A = arith.constant 0 : i32
    %eq3A_23 = arith.cmpi eq, %jit3A_22, %eq3A : i32
    %jit3A_24 = arith.constant 1 : i32
    %select_n3A_25 = arith.select %eq3A_23, %jit3A_24, %jit3A_22 : i32
    %rem3A_26 = arith.remsi %arg0, %select_n3A_25 : i32
    %ne3A_27 = arith.constant 0 : i32
    %ne3A_28 = arith.cmpi ne, %rem3A_26, %ne3A_27 : i32
    %lt3A_29 = arith.constant 0 : i32
    %lt3A_30 = arith.cmpi slt, %rem3A_26, %lt3A_29 : i32
    %lt3A_31 = arith.constant 0 : i32
    %lt3A_32 = arith.cmpi slt, %select_n3A_25, %lt3A_31 : i32
    %ne3A_33 = arith.xori %lt3A_30, %lt3A_32 : i1
    %and3A_34 = arith.andi %ne3A_33, %ne3A_28 : i1
    %add3A = arith.addi %rem3A_26, %select_n3A_25 : i32
    %select_n3A_35 = arith.select %and3A_34, %add3A, %rem3A_26 : i32
    %jit3A_36 = arith.constant 3 : i32
    %select_n3A_37 = arith.select %lt3A_21, %select_n3A_35, %jit3A_36 : i32
    %c0_i32 = arith.constant 0 : i32
    %c0_i32_38 = arith.constant 0 : i32
    return %get3A_19, %c0_i32, %select_n3A_37 : i32, i32, i32
  }
  func.func @transform_11(%arg0: i32, %arg1: memref<8xi32, #tpu.memory_space<smem>>) -> (i32, i32, i32) {
    %lt3A = arith.constant 8 : i32
    %lt3A_0 = arith.cmpi slt, %arg0, %lt3A : i32
    %jit3A = arith.constant 4 : i32
    %div3A = arith.divsi %arg0, %jit3A : i32
    %sign3A = arith.constant 0 : i32
    %sign3A_1 = arith.cmpi sgt, %arg0, %sign3A : i32
    %sign3A_2 = arith.extui %sign3A_1 : i1 to i32
    %sign3A_3 = arith.constant 0 : i32
    %sign3A_4 = arith.cmpi slt, %arg0, %sign3A_3 : i32
    %sign3A_5 = arith.extui %sign3A_4 : i1 to i32
    %sign3A_6 = arith.subi %sign3A_2, %sign3A_5 : i32
    %sign3A_7 = arith.constant 0 : i32
    %sign3A_8 = arith.cmpi sgt, %jit3A, %sign3A_7 : i32
    %sign3A_9 = arith.extui %sign3A_8 : i1 to i32
    %sign3A_10 = arith.constant 0 : i32
    %sign3A_11 = arith.cmpi slt, %jit3A, %sign3A_10 : i32
    %sign3A_12 = arith.extui %sign3A_11 : i1 to i32
    %sign3A_13 = arith.subi %sign3A_9, %sign3A_12 : i32
    %ne3A = arith.cmpi ne, %sign3A_6, %sign3A_13 : i32
    %rem3A = arith.remsi %arg0, %jit3A : i32
    %ne3A_14 = arith.constant 0 : i32
    %ne3A_15 = arith.cmpi ne, %rem3A, %ne3A_14 : i32
    %and3A = arith.andi %ne3A, %ne3A_15 : i1
    %sub3A = arith.constant 1 : i32
    %sub3A_16 = arith.subi %div3A, %sub3A : i32
    %select_n3A = arith.select %and3A, %sub3A_16, %div3A : i32
    %jit3A_17 = arith.constant 1 : i32
    %select_n3A_18 = arith.select %lt3A_0, %select_n3A, %jit3A_17 : i32
    %get3A = arith.index_cast %select_n3A_18 : i32 to index
    %get3A_19 = memref.load %arg1[%get3A] : memref<8xi32, #tpu.memory_space<smem>>
    %lt3A_20 = arith.constant 8 : i32
    %lt3A_21 = arith.cmpi slt, %arg0, %lt3A_20 : i32
    %jit3A_22 = arith.constant 4 : i32
    %eq3A = arith.constant 0 : i32
    %eq3A_23 = arith.cmpi eq, %jit3A_22, %eq3A : i32
    %jit3A_24 = arith.constant 1 : i32
    %select_n3A_25 = arith.select %eq3A_23, %jit3A_24, %jit3A_22 : i32
    %rem3A_26 = arith.remsi %arg0, %select_n3A_25 : i32
    %ne3A_27 = arith.constant 0 : i32
    %ne3A_28 = arith.cmpi ne, %rem3A_26, %ne3A_27 : i32
    %lt3A_29 = arith.constant 0 : i32
    %lt3A_30 = arith.cmpi slt, %rem3A_26, %lt3A_29 : i32
    %lt3A_31 = arith.constant 0 : i32
    %lt3A_32 = arith.cmpi slt, %select_n3A_25, %lt3A_31 : i32
    %ne3A_33 = arith.xori %lt3A_30, %lt3A_32 : i1
    %and3A_34 = arith.andi %ne3A_33, %ne3A_28 : i1
    %add3A = arith.addi %rem3A_26, %select_n3A_25 : i32
    %select_n3A_35 = arith.select %and3A_34, %add3A, %rem3A_26 : i32
    %jit3A_36 = arith.constant 3 : i32
    %select_n3A_37 = arith.select %lt3A_21, %select_n3A_35, %jit3A_36 : i32
    %c0_i32 = arith.constant 0 : i32
    %c0_i32_38 = arith.constant 0 : i32
    return %get3A_19, %c0_i32, %select_n3A_37 : i32, i32, i32
  }
  func.func @transform_12(%arg0: i32, %arg1: memref<8xi32, #tpu.memory_space<smem>>) -> (i32, i32, i32) {
    %lt3A = arith.constant 8 : i32
    %lt3A_0 = arith.cmpi slt, %arg0, %lt3A : i32
    %jit3A = arith.constant 4 : i32
    %div3A = arith.divsi %arg0, %jit3A : i32
    %sign3A = arith.constant 0 : i32
    %sign3A_1 = arith.cmpi sgt, %arg0, %sign3A : i32
    %sign3A_2 = arith.extui %sign3A_1 : i1 to i32
    %sign3A_3 = arith.constant 0 : i32
    %sign3A_4 = arith.cmpi slt, %arg0, %sign3A_3 : i32
    %sign3A_5 = arith.extui %sign3A_4 : i1 to i32
    %sign3A_6 = arith.subi %sign3A_2, %sign3A_5 : i32
    %sign3A_7 = arith.constant 0 : i32
    %sign3A_8 = arith.cmpi sgt, %jit3A, %sign3A_7 : i32
    %sign3A_9 = arith.extui %sign3A_8 : i1 to i32
    %sign3A_10 = arith.constant 0 : i32
    %sign3A_11 = arith.cmpi slt, %jit3A, %sign3A_10 : i32
    %sign3A_12 = arith.extui %sign3A_11 : i1 to i32
    %sign3A_13 = arith.subi %sign3A_9, %sign3A_12 : i32
    %ne3A = arith.cmpi ne, %sign3A_6, %sign3A_13 : i32
    %rem3A = arith.remsi %arg0, %jit3A : i32
    %ne3A_14 = arith.constant 0 : i32
    %ne3A_15 = arith.cmpi ne, %rem3A, %ne3A_14 : i32
    %and3A = arith.andi %ne3A, %ne3A_15 : i1
    %sub3A = arith.constant 1 : i32
    %sub3A_16 = arith.subi %div3A, %sub3A : i32
    %select_n3A = arith.select %and3A, %sub3A_16, %div3A : i32
    %jit3A_17 = arith.constant 1 : i32
    %select_n3A_18 = arith.select %lt3A_0, %select_n3A, %jit3A_17 : i32
    %get3A = arith.index_cast %select_n3A_18 : i32 to index
    %get3A_19 = memref.load %arg1[%get3A] : memref<8xi32, #tpu.memory_space<smem>>
    %c0_i32 = arith.constant 0 : i32
    %c0_i32_20 = arith.constant 0 : i32
    %c0_i32_21 = arith.constant 0 : i32
    return %get3A_19, %c0_i32, %c0_i32_20 : i32, i32, i32
  }
  func.func @transform_13(%arg0: i32, %arg1: memref<8xi32, #tpu.memory_space<smem>>) -> (i32, i32) {
    %lt3A = arith.constant 8 : i32
    %lt3A_0 = arith.cmpi slt, %arg0, %lt3A : i32
    %sub3A = arith.constant 8 : i32
    %sub3A_1 = arith.subi %arg0, %sub3A : i32
    %jit3A = arith.constant 0 : i32
    %select_n3A = arith.select %lt3A_0, %jit3A, %sub3A_1 : i32
    %c0_i32 = arith.constant 0 : i32
    %c0_i32_2 = arith.constant 0 : i32
    return %select_n3A, %c0_i32 : i32, i32
  }
}

module attributes {stable_mosaic.version = 14 : i64} {
  func.func @_front(%arg0: i32, %arg1: memref<512x768xf32, #tpu.memory_space<vmem>>, %arg2: memref<2304x768xf32, #tpu.memory_space<vmem>>, %arg3: memref<1x2304xf32, #tpu.memory_space<vmem>>, %arg4: memref<768x768xf32, #tpu.memory_space<vmem>>, %arg5: memref<1x768xf32, #tpu.memory_space<vmem>>, %arg6: memref<1x768xf32, #tpu.memory_space<vmem>>, %arg7: memref<1x768xf32, #tpu.memory_space<vmem>>, %arg8: memref<8x768xf32, #tpu.memory_space<vmem>>, %arg9: memref<1x8xf32, #tpu.memory_space<vmem>>, %arg10: memref<512x768xf32, #tpu.memory_space<vmem>>, %arg11: memref<1x768xf32, #tpu.memory_space<vmem>>, %arg12: memref<1x768xf32, #tpu.memory_space<vmem>>, %arg13: memref<1x2xf32, #tpu.memory_space<vmem>>, %arg14: memref<1x16xf32, #tpu.memory_space<vmem>>, %arg15: memref<12x2048x64xf32, #tpu.memory_space<vmem>>, %arg16: memref<12x64x64xf32, #tpu.memory_space<vmem>>) attributes {dimension_semantics = [#tpu.dimension_semantics<arbitrary>], iteration_bounds = array<i64: 8>, scalar_prefetch = 0 : i64, scratch_operands = 2 : i64, tpu.core_type = #tpu.core_type<tc>, window_params = [{transform_indices = @transform_0, window_bounds = array<i64: 512, 768>}, {pipeline_mode = #tpu.pipeline_mode<synchronous>, transform_indices = @transform_1, window_bounds = array<i64: 2304, 768>}, {pipeline_mode = #tpu.pipeline_mode<synchronous>, transform_indices = @transform_2, window_bounds = array<i64: 1, 2304>}, {pipeline_mode = #tpu.pipeline_mode<synchronous>, transform_indices = @transform_3, window_bounds = array<i64: 768, 768>}, {pipeline_mode = #tpu.pipeline_mode<synchronous>, transform_indices = @transform_4, window_bounds = array<i64: 1, 768>}, {pipeline_mode = #tpu.pipeline_mode<synchronous>, transform_indices = @transform_5, window_bounds = array<i64: 1, 768>}, {pipeline_mode = #tpu.pipeline_mode<synchronous>, transform_indices = @transform_6, window_bounds = array<i64: 1, 768>}, {pipeline_mode = #tpu.pipeline_mode<synchronous>, transform_indices = @transform_7, window_bounds = array<i64: 8, 768>}, {pipeline_mode = #tpu.pipeline_mode<synchronous>, transform_indices = @transform_8, window_bounds = array<i64: 1, 8>}, {transform_indices = @transform_9, window_bounds = array<i64: 512, 768>}, {pipeline_mode = #tpu.pipeline_mode<synchronous>, transform_indices = @transform_10, window_bounds = array<i64: 1, 768>}, {pipeline_mode = #tpu.pipeline_mode<synchronous>, transform_indices = @transform_11, window_bounds = array<i64: 1, 768>}, {pipeline_mode = #tpu.pipeline_mode<synchronous>, transform_indices = @transform_12, window_bounds = array<i64: 1, 2>}, {pipeline_mode = #tpu.pipeline_mode<synchronous>, transform_indices = @transform_13, window_bounds = array<i64: 1, 16>}]} {
    %eq3A = arith.constant 0 : i32
    %eq3A_0 = arith.cmpi eq, %arg0, %eq3A : i32
    %convert_element_type3A = arith.extui %eq3A_0 : i1 to i32
    %cond3A = arith.constant 0 : i32
    %cond3A_1 = arith.cmpi ne, %convert_element_type3A, %cond3A : i32
    scf.if %cond3A_1 {
      %broadcast_in_dim3A = arith.constant 0.000000e+00 : f32
      %broadcast_in_dim3A_10 = vector.broadcast %broadcast_in_dim3A : f32 to vector<12x64x64xf32>
      %swap3A = arith.constant 0 : index
      %swap3A_11 = arith.constant 0 : index
      %swap3A_12 = arith.constant 0 : index
      %swap3A_13 = vector.load %arg16[%swap3A, %swap3A_11, %swap3A_12] : memref<12x64x64xf32, #tpu.memory_space<vmem>>, vector<12x64x64xf32>
      tpu.vector_store %arg16[%swap3A, %swap3A_11, %swap3A_12], %broadcast_in_dim3A_10 {strides = array<i32>} : memref<12x64x64xf32, #tpu.memory_space<vmem>>, vector<12x64x64xf32>,
    } else {
    }
    %lt3A = arith.constant 4 : i32
    %lt3A_2 = arith.cmpi slt, %arg0, %lt3A : i32
    %convert_element_type3A_3 = arith.extui %lt3A_2 : i1 to i32
    %cond3A_4 = arith.constant 0 : i32
    %cond3A_5 = arith.cmpi ne, %convert_element_type3A_3, %cond3A_4 : i32
    scf.if %cond3A_5 {
      %get3A = arith.constant 0 : index
      %get3A_10 = arith.constant 0 : index
      %get3A_11 = vector.load %arg1[%get3A, %get3A_10] : memref<512x768xf32, #tpu.memory_space<vmem>>, vector<512x768xf32>
      %get3A_12 = arith.constant 0 : index
      %get3A_13 = arith.constant 0 : index
      %get3A_14 = vector.load %arg2[%get3A_12, %get3A_13] : memref<2304x768xf32, #tpu.memory_space<vmem>>, vector<2304x768xf32>
      %dot_general3A = arith.constant dense<0.000000e+00> : vector<512x2304xf32>
      %dot_general3A_15 = tpu.matmul %get3A_11, %get3A_14, %dot_general3A {dimension_numbers = #tpu.dot_dimension_numbers<[1], [1], [0], [0], [0, 0, 1, 0], [], []>, transpose_lhs_hint = false} : vector<512x768xf32>, vector<2304x768xf32>, vector<512x2304xf32> -> vector<512x2304xf32>
      %get3A_16 = arith.constant 0 : index
      %get3A_17 = arith.constant 0 : index
      %get3A_18 = vector.load %arg3[%get3A_16, %get3A_17] : memref<1x2304xf32, #tpu.memory_space<vmem>>, vector<1x2304xf32>
      %add3A = vector.broadcast %get3A_18 : vector<1x2304xf32> to vector<512x2304xf32>
      %add3A_19 = arith.addf %dot_general3A_15, %add3A : vector<512x2304xf32>
      %mul3A = arith.constant 512 : i32
      %mul3A_20 = arith.muli %arg0, %mul3A : i32
      %multiple_of3A = tpu.assume_multiple %mul3A_20, 512 : i32
      %slice3A = vector.extract_strided_slice %add3A_19 {offsets = [0, 1536], sizes = [512, 64], strides = [1, 1]} : vector<512x2304xf32> to vector<512x64xf32>
      %swap3A = arith.constant 0 : index
      %swap3A_21 = arith.index_cast %multiple_of3A : i32 to index
      %swap3A_22 = arith.constant 0 : index
      %swap3A_23 = vector.load %arg15[%swap3A, %swap3A_21, %swap3A_22] : memref<12x2048x64xf32, #tpu.memory_space<vmem>>, vector<1x512x64xf32>
      %swap3A_24 = vector.shape_cast %swap3A_23 : vector<1x512x64xf32> to vector<512x64xf32>
      %swap3A_25 = vector.shape_cast %slice3A : vector<512x64xf32> to vector<1x512x64xf32>
      tpu.vector_store %arg15[%swap3A, %swap3A_21, %swap3A_22], %swap3A_25 {strides = array<i32>} : memref<12x2048x64xf32, #tpu.memory_space<vmem>>, vector<1x512x64xf32>,
      %slice3A_26 = vector.extract_strided_slice %add3A_19 {offsets = [0, 0], sizes = [512, 64], strides = [1, 1]} : vector<512x2304xf32> to vector<512x64xf32>
      %slice3A_27 = vector.extract_strided_slice %add3A_19 {offsets = [0, 768], sizes = [512, 64], strides = [1, 1]} : vector<512x2304xf32> to vector<512x64xf32>
      %get3A_28 = arith.constant 0 : index
      %get3A_29 = arith.constant 0 : index
      %get3A_30 = arith.constant 0 : index
      %get3A_31 = vector.load %arg16[%get3A_28, %get3A_29, %get3A_30] : memref<12x64x64xf32, #tpu.memory_space<vmem>>, vector<1x64x64xf32>
      %get3A_32 = vector.shape_cast %get3A_31 : vector<1x64x64xf32> to vector<64x64xf32>
      %dot_general3A_33 = arith.constant dense<0.000000e+00> : vector<64x64xf32>
      %dot_general3A_34 = tpu.matmul %slice3A_26, %slice3A_27, %dot_general3A_33 {dimension_numbers = #tpu.dot_dimension_numbers<[0], [0], [1], [1], [0, 1, 1, 1], [], []>, transpose_lhs_hint = false} : vector<512x64xf32>, vector<512x64xf32>, vector<64x64xf32> -> vector<64x64xf32>
      %add3A_35 = arith.addf %get3A_32, %dot_general3A_34 : vector<64x64xf32>
      %swap3A_36 = arith.constant 0 : index
      %swap3A_37 = arith.constant 0 : index
      %swap3A_38 = arith.constant 0 : index
      %swap3A_39 = vector.load %arg16[%swap3A_36, %swap3A_37, %swap3A_38] : memref<12x64x64xf32, #tpu.memory_space<vmem>>, vector<1x64x64xf32>
      %swap3A_40 = vector.shape_cast %swap3A_39 : vector<1x64x64xf32> to vector<64x64xf32>
      %swap3A_41 = vector.shape_cast %add3A_35 : vector<64x64xf32> to vector<1x64x64xf32>
      tpu.vector_store %arg16[%swap3A_36, %swap3A_37, %swap3A_38], %swap3A_41 {strides = array<i32>} : memref<12x64x64xf32, #tpu.memory_space<vmem>>, vector<1x64x64xf32>,
      %slice3A_42 = vector.extract_strided_slice %add3A_19 {offsets = [0, 1600], sizes = [512, 64], strides = [1, 1]} : vector<512x2304xf32> to vector<512x64xf32>
      %swap3A_43 = arith.constant 1 : index
      %swap3A_44 = arith.index_cast %multiple_of3A : i32 to index
      %swap3A_45 = arith.constant 0 : index
      %swap3A_46 = vector.load %arg15[%swap3A_43, %swap3A_44, %swap3A_45] : memref<12x2048x64xf32, #tpu.memory_space<vmem>>, vector<1x512x64xf32>
      %swap3A_47 = vector.shape_cast %swap3A_46 : vector<1x512x64xf32> to vector<512x64xf32>
      %swap3A_48 = vector.shape_cast %slice3A_42 : vector<512x64xf32> to vector<1x512x64xf32>
      tpu.vector_store %arg15[%swap3A_43, %swap3A_44, %swap3A_45], %swap3A_48 {strides = array<i32>} : memref<12x2048x64xf32, #tpu.memory_space<vmem>>, vector<1x512x64xf32>,
      %slice3A_49 = vector.extract_strided_slice %add3A_19 {offsets = [0, 64], sizes = [512, 64], strides = [1, 1]} : vector<512x2304xf32> to vector<512x64xf32>
      %slice3A_50 = vector.extract_strided_slice %add3A_19 {offsets = [0, 832], sizes = [512, 64], strides = [1, 1]} : vector<512x2304xf32> to vector<512x64xf32>
      %get3A_51 = arith.constant 1 : index
      %get3A_52 = arith.constant 0 : index
      %get3A_53 = arith.constant 0 : index
      %get3A_54 = vector.load %arg16[%get3A_51, %get3A_52, %get3A_53] : memref<12x64x64xf32, #tpu.memory_space<vmem>>, vector<1x64x64xf32>
      %get3A_55 = vector.shape_cast %get3A_54 : vector<1x64x64xf32> to vector<64x64xf32>
      %dot_general3A_56 = arith.constant dense<0.000000e+00> : vector<64x64xf32>
      %dot_general3A_57 = tpu.matmul %slice3A_49, %slice3A_50, %dot_general3A_56 {dimension_numbers = #tpu.dot_dimension_numbers<[0], [0], [1], [1], [0, 1, 1, 1], [], []>, transpose_lhs_hint = false} : vector<512x64xf32>, vector<512x64xf32>, vector<64x64xf32> -> vector<64x64xf32>
      %add3A_58 = arith.addf %get3A_55, %dot_general3A_57 : vector<64x64xf32>
      %swap3A_59 = arith.constant 1 : index
      %swap3A_60 = arith.constant 0 : index
      %swap3A_61 = arith.constant 0 : index
      %swap3A_62 = vector.load %arg16[%swap3A_59, %swap3A_60, %swap3A_61] : memref<12x64x64xf32, #tpu.memory_space<vmem>>, vector<1x64x64xf32>
      %swap3A_63 = vector.shape_cast %swap3A_62 : vector<1x64x64xf32> to vector<64x64xf32>
      %swap3A_64 = vector.shape_cast %add3A_58 : vector<64x64xf32> to vector<1x64x64xf32>
      tpu.vector_store %arg16[%swap3A_59, %swap3A_60, %swap3A_61], %swap3A_64 {strides = array<i32>} : memref<12x64x64xf32, #tpu.memory_space<vmem>>, vector<1x64x64xf32>,
      %slice3A_65 = vector.extract_strided_slice %add3A_19 {offsets = [0, 1664], sizes = [512, 64], strides = [1, 1]} : vector<512x2304xf32> to vector<512x64xf32>
      %swap3A_66 = arith.constant 2 : index
      %swap3A_67 = arith.index_cast %multiple_of3A : i32 to index
      %swap3A_68 = arith.constant 0 : index
      %swap3A_69 = vector.load %arg15[%swap3A_66, %swap3A_67, %swap3A_68] : memref<12x2048x64xf32, #tpu.memory_space<vmem>>, vector<1x512x64xf32>
      %swap3A_70 = vector.shape_cast %swap3A_69 : vector<1x512x64xf32> to vector<512x64xf32>
      %swap3A_71 = vector.shape_cast %slice3A_65 : vector<512x64xf32> to vector<1x512x64xf32>
      tpu.vector_store %arg15[%swap3A_66, %swap3A_67, %swap3A_68], %swap3A_71 {strides = array<i32>} : memref<12x2048x64xf32, #tpu.memory_space<vmem>>, vector<1x512x64xf32>,
      %slice3A_72 = vector.extract_strided_slice %add3A_19 {offsets = [0, 128], sizes = [512, 64], strides = [1, 1]} : vector<512x2304xf32> to vector<512x64xf32>
      %slice3A_73 = vector.extract_strided_slice %add3A_19 {offsets = [0, 896], sizes = [512, 64], strides = [1, 1]} : vector<512x2304xf32> to vector<512x64xf32>
      %get3A_74 = arith.constant 2 : index
      %get3A_75 = arith.constant 0 : index
      %get3A_76 = arith.constant 0 : index
      %get3A_77 = vector.load %arg16[%get3A_74, %get3A_75, %get3A_76] : memref<12x64x64xf32, #tpu.memory_space<vmem>>, vector<1x64x64xf32>
      %get3A_78 = vector.shape_cast %get3A_77 : vector<1x64x64xf32> to vector<64x64xf32>
      %dot_general3A_79 = arith.constant dense<0.000000e+00> : vector<64x64xf32>
      %dot_general3A_80 = tpu.matmul %slice3A_72, %slice3A_73, %dot_general3A_79 {dimension_numbers = #tpu.dot_dimension_numbers<[0], [0], [1], [1], [0, 1, 1, 1], [], []>, transpose_lhs_hint = false} : vector<512x64xf32>, vector<512x64xf32>, vector<64x64xf32> -> vector<64x64xf32>
      %add3A_81 = arith.addf %get3A_78, %dot_general3A_80 : vector<64x64xf32>
      %swap3A_82 = arith.constant 2 : index
      %swap3A_83 = arith.constant 0 : index
      %swap3A_84 = arith.constant 0 : index
      %swap3A_85 = vector.load %arg16[%swap3A_82, %swap3A_83, %swap3A_84] : memref<12x64x64xf32, #tpu.memory_space<vmem>>, vector<1x64x64xf32>
      %swap3A_86 = vector.shape_cast %swap3A_85 : vector<1x64x64xf32> to vector<64x64xf32>
      %swap3A_87 = vector.shape_cast %add3A_81 : vector<64x64xf32> to vector<1x64x64xf32>
      tpu.vector_store %arg16[%swap3A_82, %swap3A_83, %swap3A_84], %swap3A_87 {strides = array<i32>} : memref<12x64x64xf32, #tpu.memory_space<vmem>>, vector<1x64x64xf32>,
      %slice3A_88 = vector.extract_strided_slice %add3A_19 {offsets = [0, 1728], sizes = [512, 64], strides = [1, 1]} : vector<512x2304xf32> to vector<512x64xf32>
      %swap3A_89 = arith.constant 3 : index
      %swap3A_90 = arith.index_cast %multiple_of3A : i32 to index
      %swap3A_91 = arith.constant 0 : index
      %swap3A_92 = vector.load %arg15[%swap3A_89, %swap3A_90, %swap3A_91] : memref<12x2048x64xf32, #tpu.memory_space<vmem>>, vector<1x512x64xf32>
      %swap3A_93 = vector.shape_cast %swap3A_92 : vector<1x512x64xf32> to vector<512x64xf32>
      %swap3A_94 = vector.shape_cast %slice3A_88 : vector<512x64xf32> to vector<1x512x64xf32>
      tpu.vector_store %arg15[%swap3A_89, %swap3A_90, %swap3A_91], %swap3A_94 {strides = array<i32>} : memref<12x2048x64xf32, #tpu.memory_space<vmem>>, vector<1x512x64xf32>,
      %slice3A_95 = vector.extract_strided_slice %add3A_19 {offsets = [0, 192], sizes = [512, 64], strides = [1, 1]} : vector<512x2304xf32> to vector<512x64xf32>
      %slice3A_96 = vector.extract_strided_slice %add3A_19 {offsets = [0, 960], sizes = [512, 64], strides = [1, 1]} : vector<512x2304xf32> to vector<512x64xf32>
      %get3A_97 = arith.constant 3 : index
      %get3A_98 = arith.constant 0 : index
      %get3A_99 = arith.constant 0 : index
      %get3A_100 = vector.load %arg16[%get3A_97, %get3A_98, %get3A_99] : memref<12x64x64xf32, #tpu.memory_space<vmem>>, vector<1x64x64xf32>
      %get3A_101 = vector.shape_cast %get3A_100 : vector<1x64x64xf32> to vector<64x64xf32>
      %dot_general3A_102 = arith.constant dense<0.000000e+00> : vector<64x64xf32>
      %dot_general3A_103 = tpu.matmul %slice3A_95, %slice3A_96, %dot_general3A_102 {dimension_numbers = #tpu.dot_dimension_numbers<[0], [0], [1], [1], [0, 1, 1, 1], [], []>, transpose_lhs_hint = false} : vector<512x64xf32>, vector<512x64xf32>, vector<64x64xf32> -> vector<64x64xf32>
      %add3A_104 = arith.addf %get3A_101, %dot_general3A_103 : vector<64x64xf32>
      %swap3A_105 = arith.constant 3 : index
      %swap3A_106 = arith.constant 0 : index
      %swap3A_107 = arith.constant 0 : index
      %swap3A_108 = vector.load %arg16[%swap3A_105, %swap3A_106, %swap3A_107] : memref<12x64x64xf32, #tpu.memory_space<vmem>>, vector<1x64x64xf32>
      %swap3A_109 = vector.shape_cast %swap3A_108 : vector<1x64x64xf32> to vector<64x64xf32>
      %swap3A_110 = vector.shape_cast %add3A_104 : vector<64x64xf32> to vector<1x64x64xf32>
      tpu.vector_store %arg16[%swap3A_105, %swap3A_106, %swap3A_107], %swap3A_110 {strides = array<i32>} : memref<12x64x64xf32, #tpu.memory_space<vmem>>, vector<1x64x64xf32>,
      %slice3A_111 = vector.extract_strided_slice %add3A_19 {offsets = [0, 1792], sizes = [512, 64], strides = [1, 1]} : vector<512x2304xf32> to vector<512x64xf32>
      %swap3A_112 = arith.constant 4 : index
      %swap3A_113 = arith.index_cast %multiple_of3A : i32 to index
      %swap3A_114 = arith.constant 0 : index
      %swap3A_115 = vector.load %arg15[%swap3A_112, %swap3A_113, %swap3A_114] : memref<12x2048x64xf32, #tpu.memory_space<vmem>>, vector<1x512x64xf32>
      %swap3A_116 = vector.shape_cast %swap3A_115 : vector<1x512x64xf32> to vector<512x64xf32>
      %swap3A_117 = vector.shape_cast %slice3A_111 : vector<512x64xf32> to vector<1x512x64xf32>
      tpu.vector_store %arg15[%swap3A_112, %swap3A_113, %swap3A_114], %swap3A_117 {strides = array<i32>} : memref<12x2048x64xf32, #tpu.memory_space<vmem>>, vector<1x512x64xf32>,
      %slice3A_118 = vector.extract_strided_slice %add3A_19 {offsets = [0, 256], sizes = [512, 64], strides = [1, 1]} : vector<512x2304xf32> to vector<512x64xf32>
      %slice3A_119 = vector.extract_strided_slice %add3A_19 {offsets = [0, 1024], sizes = [512, 64], strides = [1, 1]} : vector<512x2304xf32> to vector<512x64xf32>
      %get3A_120 = arith.constant 4 : index
      %get3A_121 = arith.constant 0 : index
      %get3A_122 = arith.constant 0 : index
      %get3A_123 = vector.load %arg16[%get3A_120, %get3A_121, %get3A_122] : memref<12x64x64xf32, #tpu.memory_space<vmem>>, vector<1x64x64xf32>
      %get3A_124 = vector.shape_cast %get3A_123 : vector<1x64x64xf32> to vector<64x64xf32>
      %dot_general3A_125 = arith.constant dense<0.000000e+00> : vector<64x64xf32>
      %dot_general3A_126 = tpu.matmul %slice3A_118, %slice3A_119, %dot_general3A_125 {dimension_numbers = #tpu.dot_dimension_numbers<[0], [0], [1], [1], [0, 1, 1, 1], [], []>, transpose_lhs_hint = false} : vector<512x64xf32>, vector<512x64xf32>, vector<64x64xf32> -> vector<64x64xf32>
      %add3A_127 = arith.addf %get3A_124, %dot_general3A_126 : vector<64x64xf32>
      %swap3A_128 = arith.constant 4 : index
      %swap3A_129 = arith.constant 0 : index
      %swap3A_130 = arith.constant 0 : index
      %swap3A_131 = vector.load %arg16[%swap3A_128, %swap3A_129, %swap3A_130] : memref<12x64x64xf32, #tpu.memory_space<vmem>>, vector<1x64x64xf32>
      %swap3A_132 = vector.shape_cast %swap3A_131 : vector<1x64x64xf32> to vector<64x64xf32>
      %swap3A_133 = vector.shape_cast %add3A_127 : vector<64x64xf32> to vector<1x64x64xf32>
      tpu.vector_store %arg16[%swap3A_128, %swap3A_129, %swap3A_130], %swap3A_133 {strides = array<i32>} : memref<12x64x64xf32, #tpu.memory_space<vmem>>, vector<1x64x64xf32>,
      %slice3A_134 = vector.extract_strided_slice %add3A_19 {offsets = [0, 1856], sizes = [512, 64], strides = [1, 1]} : vector<512x2304xf32> to vector<512x64xf32>
      %swap3A_135 = arith.constant 5 : index
      %swap3A_136 = arith.index_cast %multiple_of3A : i32 to index
      %swap3A_137 = arith.constant 0 : index
      %swap3A_138 = vector.load %arg15[%swap3A_135, %swap3A_136, %swap3A_137] : memref<12x2048x64xf32, #tpu.memory_space<vmem>>, vector<1x512x64xf32>
      %swap3A_139 = vector.shape_cast %swap3A_138 : vector<1x512x64xf32> to vector<512x64xf32>
      %swap3A_140 = vector.shape_cast %slice3A_134 : vector<512x64xf32> to vector<1x512x64xf32>
      tpu.vector_store %arg15[%swap3A_135, %swap3A_136, %swap3A_137], %swap3A_140 {strides = array<i32>} : memref<12x2048x64xf32, #tpu.memory_space<vmem>>, vector<1x512x64xf32>,
      %slice3A_141 = vector.extract_strided_slice %add3A_19 {offsets = [0, 320], sizes = [512, 64], strides = [1, 1]} : vector<512x2304xf32> to vector<512x64xf32>
      %slice3A_142 = vector.extract_strided_slice %add3A_19 {offsets = [0, 1088], sizes = [512, 64], strides = [1, 1]} : vector<512x2304xf32> to vector<512x64xf32>
      %get3A_143 = arith.constant 5 : index
      %get3A_144 = arith.constant 0 : index
      %get3A_145 = arith.constant 0 : index
      %get3A_146 = vector.load %arg16[%get3A_143, %get3A_144, %get3A_145] : memref<12x64x64xf32, #tpu.memory_space<vmem>>, vector<1x64x64xf32>
      %get3A_147 = vector.shape_cast %get3A_146 : vector<1x64x64xf32> to vector<64x64xf32>
      %dot_general3A_148 = arith.constant dense<0.000000e+00> : vector<64x64xf32>
      %dot_general3A_149 = tpu.matmul %slice3A_141, %slice3A_142, %dot_general3A_148 {dimension_numbers = #tpu.dot_dimension_numbers<[0], [0], [1], [1], [0, 1, 1, 1], [], []>, transpose_lhs_hint = false} : vector<512x64xf32>, vector<512x64xf32>, vector<64x64xf32> -> vector<64x64xf32>
      %add3A_150 = arith.addf %get3A_147, %dot_general3A_149 : vector<64x64xf32>
      %swap3A_151 = arith.constant 5 : index
      %swap3A_152 = arith.constant 0 : index
      %swap3A_153 = arith.constant 0 : index
      %swap3A_154 = vector.load %arg16[%swap3A_151, %swap3A_152, %swap3A_153] : memref<12x64x64xf32, #tpu.memory_space<vmem>>, vector<1x64x64xf32>
      %swap3A_155 = vector.shape_cast %swap3A_154 : vector<1x64x64xf32> to vector<64x64xf32>
      %swap3A_156 = vector.shape_cast %add3A_150 : vector<64x64xf32> to vector<1x64x64xf32>
      tpu.vector_store %arg16[%swap3A_151, %swap3A_152, %swap3A_153], %swap3A_156 {strides = array<i32>} : memref<12x64x64xf32, #tpu.memory_space<vmem>>, vector<1x64x64xf32>,
      %slice3A_157 = vector.extract_strided_slice %add3A_19 {offsets = [0, 1920], sizes = [512, 64], strides = [1, 1]} : vector<512x2304xf32> to vector<512x64xf32>
      %swap3A_158 = arith.constant 6 : index
      %swap3A_159 = arith.index_cast %multiple_of3A : i32 to index
      %swap3A_160 = arith.constant 0 : index
      %swap3A_161 = vector.load %arg15[%swap3A_158, %swap3A_159, %swap3A_160] : memref<12x2048x64xf32, #tpu.memory_space<vmem>>, vector<1x512x64xf32>
      %swap3A_162 = vector.shape_cast %swap3A_161 : vector<1x512x64xf32> to vector<512x64xf32>
      %swap3A_163 = vector.shape_cast %slice3A_157 : vector<512x64xf32> to vector<1x512x64xf32>
      tpu.vector_store %arg15[%swap3A_158, %swap3A_159, %swap3A_160], %swap3A_163 {strides = array<i32>} : memref<12x2048x64xf32, #tpu.memory_space<vmem>>, vector<1x512x64xf32>,
      %slice3A_164 = vector.extract_strided_slice %add3A_19 {offsets = [0, 384], sizes = [512, 64], strides = [1, 1]} : vector<512x2304xf32> to vector<512x64xf32>
      %slice3A_165 = vector.extract_strided_slice %add3A_19 {offsets = [0, 1152], sizes = [512, 64], strides = [1, 1]} : vector<512x2304xf32> to vector<512x64xf32>
      %get3A_166 = arith.constant 6 : index
      %get3A_167 = arith.constant 0 : index
      %get3A_168 = arith.constant 0 : index
      %get3A_169 = vector.load %arg16[%get3A_166, %get3A_167, %get3A_168] : memref<12x64x64xf32, #tpu.memory_space<vmem>>, vector<1x64x64xf32>
      %get3A_170 = vector.shape_cast %get3A_169 : vector<1x64x64xf32> to vector<64x64xf32>
      %dot_general3A_171 = arith.constant dense<0.000000e+00> : vector<64x64xf32>
      %dot_general3A_172 = tpu.matmul %slice3A_164, %slice3A_165, %dot_general3A_171 {dimension_numbers = #tpu.dot_dimension_numbers<[0], [0], [1], [1], [0, 1, 1, 1], [], []>, transpose_lhs_hint = false} : vector<512x64xf32>, vector<512x64xf32>, vector<64x64xf32> -> vector<64x64xf32>
      %add3A_173 = arith.addf %get3A_170, %dot_general3A_172 : vector<64x64xf32>
      %swap3A_174 = arith.constant 6 : index
      %swap3A_175 = arith.constant 0 : index
      %swap3A_176 = arith.constant 0 : index
      %swap3A_177 = vector.load %arg16[%swap3A_174, %swap3A_175, %swap3A_176] : memref<12x64x64xf32, #tpu.memory_space<vmem>>, vector<1x64x64xf32>
      %swap3A_178 = vector.shape_cast %swap3A_177 : vector<1x64x64xf32> to vector<64x64xf32>
      %swap3A_179 = vector.shape_cast %add3A_173 : vector<64x64xf32> to vector<1x64x64xf32>
      tpu.vector_store %arg16[%swap3A_174, %swap3A_175, %swap3A_176], %swap3A_179 {strides = array<i32>} : memref<12x64x64xf32, #tpu.memory_space<vmem>>, vector<1x64x64xf32>,
      %slice3A_180 = vector.extract_strided_slice %add3A_19 {offsets = [0, 1984], sizes = [512, 64], strides = [1, 1]} : vector<512x2304xf32> to vector<512x64xf32>
      %swap3A_181 = arith.constant 7 : index
      %swap3A_182 = arith.index_cast %multiple_of3A : i32 to index
      %swap3A_183 = arith.constant 0 : index
      %swap3A_184 = vector.load %arg15[%swap3A_181, %swap3A_182, %swap3A_183] : memref<12x2048x64xf32, #tpu.memory_space<vmem>>, vector<1x512x64xf32>
      %swap3A_185 = vector.shape_cast %swap3A_184 : vector<1x512x64xf32> to vector<512x64xf32>
      %swap3A_186 = vector.shape_cast %slice3A_180 : vector<512x64xf32> to vector<1x512x64xf32>
      tpu.vector_store %arg15[%swap3A_181, %swap3A_182, %swap3A_183], %swap3A_186 {strides = array<i32>} : memref<12x2048x64xf32, #tpu.memory_space<vmem>>, vector<1x512x64xf32>,
      %slice3A_187 = vector.extract_strided_slice %add3A_19 {offsets = [0, 448], sizes = [512, 64], strides = [1, 1]} : vector<512x2304xf32> to vector<512x64xf32>
      %slice3A_188 = vector.extract_strided_slice %add3A_19 {offsets = [0, 1216], sizes = [512, 64], strides = [1, 1]} : vector<512x2304xf32> to vector<512x64xf32>
      %get3A_189 = arith.constant 7 : index
      %get3A_190 = arith.constant 0 : index
      %get3A_191 = arith.constant 0 : index
      %get3A_192 = vector.load %arg16[%get3A_189, %get3A_190, %get3A_191] : memref<12x64x64xf32, #tpu.memory_space<vmem>>, vector<1x64x64xf32>
      %get3A_193 = vector.shape_cast %get3A_192 : vector<1x64x64xf32> to vector<64x64xf32>
      %dot_general3A_194 = arith.constant dense<0.000000e+00> : vector<64x64xf32>
      %dot_general3A_195 = tpu.matmul %slice3A_187, %slice3A_188, %dot_general3A_194 {dimension_numbers = #tpu.dot_dimension_numbers<[0], [0], [1], [1], [0, 1, 1, 1], [], []>, transpose_lhs_hint = false} : vector<512x64xf32>, vector<512x64xf32>, vector<64x64xf32> -> vector<64x64xf32>
      %add3A_196 = arith.addf %get3A_193, %dot_general3A_195 : vector<64x64xf32>
      %swap3A_197 = arith.constant 7 : index
      %swap3A_198 = arith.constant 0 : index
      %swap3A_199 = arith.constant 0 : index
      %swap3A_200 = vector.load %arg16[%swap3A_197, %swap3A_198, %swap3A_199] : memref<12x64x64xf32, #tpu.memory_space<vmem>>, vector<1x64x64xf32>
      %swap3A_201 = vector.shape_cast %swap3A_200 : vector<1x64x64xf32> to vector<64x64xf32>
      %swap3A_202 = vector.shape_cast %add3A_196 : vector<64x64xf32> to vector<1x64x64xf32>
      tpu.vector_store %arg16[%swap3A_197, %swap3A_198, %swap3A_199], %swap3A_202 {strides = array<i32>} : memref<12x64x64xf32, #tpu.memory_space<vmem>>, vector<1x64x64xf32>,
      %slice3A_203 = vector.extract_strided_slice %add3A_19 {offsets = [0, 2048], sizes = [512, 64], strides = [1, 1]} : vector<512x2304xf32> to vector<512x64xf32>
      %swap3A_204 = arith.constant 8 : index
      %swap3A_205 = arith.index_cast %multiple_of3A : i32 to index
      %swap3A_206 = arith.constant 0 : index
      %swap3A_207 = vector.load %arg15[%swap3A_204, %swap3A_205, %swap3A_206] : memref<12x2048x64xf32, #tpu.memory_space<vmem>>, vector<1x512x64xf32>
      %swap3A_208 = vector.shape_cast %swap3A_207 : vector<1x512x64xf32> to vector<512x64xf32>
      %swap3A_209 = vector.shape_cast %slice3A_203 : vector<512x64xf32> to vector<1x512x64xf32>
      tpu.vector_store %arg15[%swap3A_204, %swap3A_205, %swap3A_206], %swap3A_209 {strides = array<i32>} : memref<12x2048x64xf32, #tpu.memory_space<vmem>>, vector<1x512x64xf32>,
      %slice3A_210 = vector.extract_strided_slice %add3A_19 {offsets = [0, 512], sizes = [512, 64], strides = [1, 1]} : vector<512x2304xf32> to vector<512x64xf32>
      %slice3A_211 = vector.extract_strided_slice %add3A_19 {offsets = [0, 1280], sizes = [512, 64], strides = [1, 1]} : vector<512x2304xf32> to vector<512x64xf32>
      %get3A_212 = arith.constant 8 : index
      %get3A_213 = arith.constant 0 : index
      %get3A_214 = arith.constant 0 : index
      %get3A_215 = vector.load %arg16[%get3A_212, %get3A_213, %get3A_214] : memref<12x64x64xf32, #tpu.memory_space<vmem>>, vector<1x64x64xf32>
      %get3A_216 = vector.shape_cast %get3A_215 : vector<1x64x64xf32> to vector<64x64xf32>
      %dot_general3A_217 = arith.constant dense<0.000000e+00> : vector<64x64xf32>
      %dot_general3A_218 = tpu.matmul %slice3A_210, %slice3A_211, %dot_general3A_217 {dimension_numbers = #tpu.dot_dimension_numbers<[0], [0], [1], [1], [0, 1, 1, 1], [], []>, transpose_lhs_hint = false} : vector<512x64xf32>, vector<512x64xf32>, vector<64x64xf32> -> vector<64x64xf32>
      %add3A_219 = arith.addf %get3A_216, %dot_general3A_218 : vector<64x64xf32>
      %swap3A_220 = arith.constant 8 : index
      %swap3A_221 = arith.constant 0 : index
      %swap3A_222 = arith.constant 0 : index
      %swap3A_223 = vector.load %arg16[%swap3A_220, %swap3A_221, %swap3A_222] : memref<12x64x64xf32, #tpu.memory_space<vmem>>, vector<1x64x64xf32>
      %swap3A_224 = vector.shape_cast %swap3A_223 : vector<1x64x64xf32> to vector<64x64xf32>
      %swap3A_225 = vector.shape_cast %add3A_219 : vector<64x64xf32> to vector<1x64x64xf32>
      tpu.vector_store %arg16[%swap3A_220, %swap3A_221, %swap3A_222], %swap3A_225 {strides = array<i32>} : memref<12x64x64xf32, #tpu.memory_space<vmem>>, vector<1x64x64xf32>,
      %slice3A_226 = vector.extract_strided_slice %add3A_19 {offsets = [0, 2112], sizes = [512, 64], strides = [1, 1]} : vector<512x2304xf32> to vector<512x64xf32>
      %swap3A_227 = arith.constant 9 : index
      %swap3A_228 = arith.index_cast %multiple_of3A : i32 to index
      %swap3A_229 = arith.constant 0 : index
      %swap3A_230 = vector.load %arg15[%swap3A_227, %swap3A_228, %swap3A_229] : memref<12x2048x64xf32, #tpu.memory_space<vmem>>, vector<1x512x64xf32>
      %swap3A_231 = vector.shape_cast %swap3A_230 : vector<1x512x64xf32> to vector<512x64xf32>
      %swap3A_232 = vector.shape_cast %slice3A_226 : vector<512x64xf32> to vector<1x512x64xf32>
      tpu.vector_store %arg15[%swap3A_227, %swap3A_228, %swap3A_229], %swap3A_232 {strides = array<i32>} : memref<12x2048x64xf32, #tpu.memory_space<vmem>>, vector<1x512x64xf32>,
      %slice3A_233 = vector.extract_strided_slice %add3A_19 {offsets = [0, 576], sizes = [512, 64], strides = [1, 1]} : vector<512x2304xf32> to vector<512x64xf32>
      %slice3A_234 = vector.extract_strided_slice %add3A_19 {offsets = [0, 1344], sizes = [512, 64], strides = [1, 1]} : vector<512x2304xf32> to vector<512x64xf32>
      %get3A_235 = arith.constant 9 : index
      %get3A_236 = arith.constant 0 : index
      %get3A_237 = arith.constant 0 : index
      %get3A_238 = vector.load %arg16[%get3A_235, %get3A_236, %get3A_237] : memref<12x64x64xf32, #tpu.memory_space<vmem>>, vector<1x64x64xf32>
      %get3A_239 = vector.shape_cast %get3A_238 : vector<1x64x64xf32> to vector<64x64xf32>
      %dot_general3A_240 = arith.constant dense<0.000000e+00> : vector<64x64xf32>
      %dot_general3A_241 = tpu.matmul %slice3A_233, %slice3A_234, %dot_general3A_240 {dimension_numbers = #tpu.dot_dimension_numbers<[0], [0], [1], [1], [0, 1, 1, 1], [], []>, transpose_lhs_hint = false} : vector<512x64xf32>, vector<512x64xf32>, vector<64x64xf32> -> vector<64x64xf32>
      %add3A_242 = arith.addf %get3A_239, %dot_general3A_241 : vector<64x64xf32>
      %swap3A_243 = arith.constant 9 : index
      %swap3A_244 = arith.constant 0 : index
      %swap3A_245 = arith.constant 0 : index
      %swap3A_246 = vector.load %arg16[%swap3A_243, %swap3A_244, %swap3A_245] : memref<12x64x64xf32, #tpu.memory_space<vmem>>, vector<1x64x64xf32>
      %swap3A_247 = vector.shape_cast %swap3A_246 : vector<1x64x64xf32> to vector<64x64xf32>
      %swap3A_248 = vector.shape_cast %add3A_242 : vector<64x64xf32> to vector<1x64x64xf32>
      tpu.vector_store %arg16[%swap3A_243, %swap3A_244, %swap3A_245], %swap3A_248 {strides = array<i32>} : memref<12x64x64xf32, #tpu.memory_space<vmem>>, vector<1x64x64xf32>,
      %slice3A_249 = vector.extract_strided_slice %add3A_19 {offsets = [0, 2176], sizes = [512, 64], strides = [1, 1]} : vector<512x2304xf32> to vector<512x64xf32>
      %swap3A_250 = arith.constant 10 : index
      %swap3A_251 = arith.index_cast %multiple_of3A : i32 to index
      %swap3A_252 = arith.constant 0 : index
      %swap3A_253 = vector.load %arg15[%swap3A_250, %swap3A_251, %swap3A_252] : memref<12x2048x64xf32, #tpu.memory_space<vmem>>, vector<1x512x64xf32>
      %swap3A_254 = vector.shape_cast %swap3A_253 : vector<1x512x64xf32> to vector<512x64xf32>
      %swap3A_255 = vector.shape_cast %slice3A_249 : vector<512x64xf32> to vector<1x512x64xf32>
      tpu.vector_store %arg15[%swap3A_250, %swap3A_251, %swap3A_252], %swap3A_255 {strides = array<i32>} : memref<12x2048x64xf32, #tpu.memory_space<vmem>>, vector<1x512x64xf32>,
      %slice3A_256 = vector.extract_strided_slice %add3A_19 {offsets = [0, 640], sizes = [512, 64], strides = [1, 1]} : vector<512x2304xf32> to vector<512x64xf32>
      %slice3A_257 = vector.extract_strided_slice %add3A_19 {offsets = [0, 1408], sizes = [512, 64], strides = [1, 1]} : vector<512x2304xf32> to vector<512x64xf32>
      %get3A_258 = arith.constant 10 : index
      %get3A_259 = arith.constant 0 : index
      %get3A_260 = arith.constant 0 : index
      %get3A_261 = vector.load %arg16[%get3A_258, %get3A_259, %get3A_260] : memref<12x64x64xf32, #tpu.memory_space<vmem>>, vector<1x64x64xf32>
      %get3A_262 = vector.shape_cast %get3A_261 : vector<1x64x64xf32> to vector<64x64xf32>
      %dot_general3A_263 = arith.constant dense<0.000000e+00> : vector<64x64xf32>
      %dot_general3A_264 = tpu.matmul %slice3A_256, %slice3A_257, %dot_general3A_263 {dimension_numbers = #tpu.dot_dimension_numbers<[0], [0], [1], [1], [0, 1, 1, 1], [], []>, transpose_lhs_hint = false} : vector<512x64xf32>, vector<512x64xf32>, vector<64x64xf32> -> vector<64x64xf32>
      %add3A_265 = arith.addf %get3A_262, %dot_general3A_264 : vector<64x64xf32>
      %swap3A_266 = arith.constant 10 : index
      %swap3A_267 = arith.constant 0 : index
      %swap3A_268 = arith.constant 0 : index
      %swap3A_269 = vector.load %arg16[%swap3A_266, %swap3A_267, %swap3A_268] : memref<12x64x64xf32, #tpu.memory_space<vmem>>, vector<1x64x64xf32>
      %swap3A_270 = vector.shape_cast %swap3A_269 : vector<1x64x64xf32> to vector<64x64xf32>
      %swap3A_271 = vector.shape_cast %add3A_265 : vector<64x64xf32> to vector<1x64x64xf32>
      tpu.vector_store %arg16[%swap3A_266, %swap3A_267, %swap3A_268], %swap3A_271 {strides = array<i32>} : memref<12x64x64xf32, #tpu.memory_space<vmem>>, vector<1x64x64xf32>,
      %slice3A_272 = vector.extract_strided_slice %add3A_19 {offsets = [0, 2240], sizes = [512, 64], strides = [1, 1]} : vector<512x2304xf32> to vector<512x64xf32>
      %swap3A_273 = arith.constant 11 : index
      %swap3A_274 = arith.index_cast %multiple_of3A : i32 to index
      %swap3A_275 = arith.constant 0 : index
      %swap3A_276 = vector.load %arg15[%swap3A_273, %swap3A_274, %swap3A_275] : memref<12x2048x64xf32, #tpu.memory_space<vmem>>, vector<1x512x64xf32>
      %swap3A_277 = vector.shape_cast %swap3A_276 : vector<1x512x64xf32> to vector<512x64xf32>
      %swap3A_278 = vector.shape_cast %slice3A_272 : vector<512x64xf32> to vector<1x512x64xf32>
      tpu.vector_store %arg15[%swap3A_273, %swap3A_274, %swap3A_275], %swap3A_278 {strides = array<i32>} : memref<12x2048x64xf32, #tpu.memory_space<vmem>>, vector<1x512x64xf32>,
      %slice3A_279 = vector.extract_strided_slice %add3A_19 {offsets = [0, 704], sizes = [512, 64], strides = [1, 1]} : vector<512x2304xf32> to vector<512x64xf32>
      %slice3A_280 = vector.extract_strided_slice %add3A_19 {offsets = [0, 1472], sizes = [512, 64], strides = [1, 1]} : vector<512x2304xf32> to vector<512x64xf32>
      %get3A_281 = arith.constant 11 : index
      %get3A_282 = arith.constant 0 : index
      %get3A_283 = arith.constant 0 : index
      %get3A_284 = vector.load %arg16[%get3A_281, %get3A_282, %get3A_283] : memref<12x64x64xf32, #tpu.memory_space<vmem>>, vector<1x64x64xf32>
      %get3A_285 = vector.shape_cast %get3A_284 : vector<1x64x64xf32> to vector<64x64xf32>
      %dot_general3A_286 = arith.constant dense<0.000000e+00> : vector<64x64xf32>
      %dot_general3A_287 = tpu.matmul %slice3A_279, %slice3A_280, %dot_general3A_286 {dimension_numbers = #tpu.dot_dimension_numbers<[0], [0], [1], [1], [0, 1, 1, 1], [], []>, transpose_lhs_hint = false} : vector<512x64xf32>, vector<512x64xf32>, vector<64x64xf32> -> vector<64x64xf32>
      %add3A_288 = arith.addf %get3A_285, %dot_general3A_287 : vector<64x64xf32>
      %swap3A_289 = arith.constant 11 : index
      %swap3A_290 = arith.constant 0 : index
      %swap3A_291 = arith.constant 0 : index
      %swap3A_292 = vector.load %arg16[%swap3A_289, %swap3A_290, %swap3A_291] : memref<12x64x64xf32, #tpu.memory_space<vmem>>, vector<1x64x64xf32>
      %swap3A_293 = vector.shape_cast %swap3A_292 : vector<1x64x64xf32> to vector<64x64xf32>
      %swap3A_294 = vector.shape_cast %add3A_288 : vector<64x64xf32> to vector<1x64x64xf32>
      tpu.vector_store %arg16[%swap3A_289, %swap3A_290, %swap3A_291], %swap3A_294 {strides = array<i32>} : memref<12x64x64xf32, #tpu.memory_space<vmem>>, vector<1x64x64xf32>,
    } else {
    }
    %ge3A = arith.constant 4 : i32
    %ge3A_6 = arith.cmpi sge, %arg0, %ge3A : i32
    %convert_element_type3A_7 = arith.extui %ge3A_6 : i1 to i32
    %cond3A_8 = arith.constant 0 : i32
    %cond3A_9 = arith.cmpi ne, %convert_element_type3A_7, %cond3A_8 : i32
    scf.if %cond3A_9 {
      %sub3A = arith.constant 4 : i32
      %sub3A_10 = arith.subi %arg0, %sub3A : i32
      %mul3A = arith.constant 3 : i32
      %mul3A_11 = arith.muli %mul3A, %sub3A_10 : i32
      %add3A = arith.constant 0 : i32
      %add3A_12 = arith.addi %mul3A_11, %add3A : i32
      %get3A = arith.index_cast %add3A_12 : i32 to index
      %get3A_13 = arith.constant 0 : index
      %get3A_14 = arith.constant 0 : index
      %get3A_15 = vector.load %arg16[%get3A, %get3A_13, %get3A_14] : memref<12x64x64xf32, #tpu.memory_space<vmem>>, vector<1x64x64xf32>
      %get3A_16 = vector.shape_cast %get3A_15 : vector<1x64x64xf32> to vector<64x64xf32>
      %mul3A_17 = arith.constant 0.0220970865 : f32
      %mul3A_18 = vector.broadcast %mul3A_17 : f32 to vector<64x64xf32>
      %mul3A_19 = arith.mulf %get3A_16, %mul3A_18 : vector<64x64xf32>
      %reduce_max3A = arith.constant dense<0xFF800000> : vector<64xf32>
      %reduce_max3A_20 = vector.multi_reduction <maximumf>, %mul3A_19, %reduce_max3A [1] : vector<64x64xf32> to vector<64xf32>
      %max3A = arith.constant 0xFF800000 : f32
      %max3A_21 = vector.broadcast %max3A : f32 to vector<64xf32>
      %max3A_22 = arith.maximumf %max3A_21, %reduce_max3A_20 : vector<64xf32>
      %broadcast_in_dim3A = vector.shape_cast %max3A_22 : vector<64xf32> to vector<64x1xf32>
      %sub3A_23 = vector.broadcast %broadcast_in_dim3A : vector<64x1xf32> to vector<64x64xf32>
      %sub3A_24 = arith.subf %mul3A_19, %sub3A_23 : vector<64x64xf32>
      %exp3A = math.exp %sub3A_24 : vector<64x64xf32>
      %reduce_sum3A = arith.constant dense<0.000000e+00> : vector<64xf32>
      %reduce_sum3A_25 = vector.multi_reduction <add>, %exp3A, %reduce_sum3A [1] : vector<64x64xf32> to vector<64xf32>
      %broadcast_in_dim3A_26 = vector.shape_cast %reduce_sum3A_25 : vector<64xf32> to vector<64x1xf32>
      %div3A = vector.broadcast %broadcast_in_dim3A_26 : vector<64x1xf32> to vector<64x64xf32>
      %div3A_27 = arith.divf %exp3A, %div3A : vector<64x64xf32>
      %get3A_28 = arith.index_cast %add3A_12 : i32 to index
      %get3A_29 = arith.constant 0 : index
      %get3A_30 = arith.constant 0 : index
      %get3A_31 = vector.load %arg15[%get3A_28, %get3A_29, %get3A_30] : memref<12x2048x64xf32, #tpu.memory_space<vmem>>, vector<1x2048x64xf32>
      %get3A_32 = vector.shape_cast %get3A_31 : vector<1x2048x64xf32> to vector<2048x64xf32>
      %dot_general3A = arith.constant dense<0.000000e+00> : vector<64x2048xf32>
      %dot_general3A_33 = tpu.matmul %div3A_27, %get3A_32, %dot_general3A {dimension_numbers = #tpu.dot_dimension_numbers<[1], [1], [0], [0], [0, 0, 1, 0], [], []>, transpose_lhs_hint = false} : vector<64x64xf32>, vector<2048x64xf32>, vector<64x2048xf32> -> vector<64x2048xf32>
      %mul3A_34 = arith.constant 3 : i32
      %mul3A_35 = arith.muli %mul3A_34, %sub3A_10 : i32
      %add3A_36 = arith.constant 1 : i32
      %add3A_37 = arith.addi %mul3A_35, %add3A_36 : i32
      %get3A_38 = arith.index_cast %add3A_37 : i32 to index
      %get3A_39 = arith.constant 0 : index
      %get3A_40 = arith.constant 0 : index
      %get3A_41 = vector.load %arg16[%get3A_38, %get3A_39, %get3A_40] : memref<12x64x64xf32, #tpu.memory_space<vmem>>, vector<1x64x64xf32>
      %get3A_42 = vector.shape_cast %get3A_41 : vector<1x64x64xf32> to vector<64x64xf32>
      %mul3A_43 = arith.constant 0.0220970865 : f32
      %mul3A_44 = vector.broadcast %mul3A_43 : f32 to vector<64x64xf32>
      %mul3A_45 = arith.mulf %get3A_42, %mul3A_44 : vector<64x64xf32>
      %reduce_max3A_46 = arith.constant dense<0xFF800000> : vector<64xf32>
      %reduce_max3A_47 = vector.multi_reduction <maximumf>, %mul3A_45, %reduce_max3A_46 [1] : vector<64x64xf32> to vector<64xf32>
      %max3A_48 = arith.constant 0xFF800000 : f32
      %max3A_49 = vector.broadcast %max3A_48 : f32 to vector<64xf32>
      %max3A_50 = arith.maximumf %max3A_49, %reduce_max3A_47 : vector<64xf32>
      %broadcast_in_dim3A_51 = vector.shape_cast %max3A_50 : vector<64xf32> to vector<64x1xf32>
      %sub3A_52 = vector.broadcast %broadcast_in_dim3A_51 : vector<64x1xf32> to vector<64x64xf32>
      %sub3A_53 = arith.subf %mul3A_45, %sub3A_52 : vector<64x64xf32>
      %exp3A_54 = math.exp %sub3A_53 : vector<64x64xf32>
      %reduce_sum3A_55 = arith.constant dense<0.000000e+00> : vector<64xf32>
      %reduce_sum3A_56 = vector.multi_reduction <add>, %exp3A_54, %reduce_sum3A_55 [1] : vector<64x64xf32> to vector<64xf32>
      %broadcast_in_dim3A_57 = vector.shape_cast %reduce_sum3A_56 : vector<64xf32> to vector<64x1xf32>
      %div3A_58 = vector.broadcast %broadcast_in_dim3A_57 : vector<64x1xf32> to vector<64x64xf32>
      %div3A_59 = arith.divf %exp3A_54, %div3A_58 : vector<64x64xf32>
      %get3A_60 = arith.index_cast %add3A_37 : i32 to index
      %get3A_61 = arith.constant 0 : index
      %get3A_62 = arith.constant 0 : index
      %get3A_63 = vector.load %arg15[%get3A_60, %get3A_61, %get3A_62] : memref<12x2048x64xf32, #tpu.memory_space<vmem>>, vector<1x2048x64xf32>
      %get3A_64 = vector.shape_cast %get3A_63 : vector<1x2048x64xf32> to vector<2048x64xf32>
      %dot_general3A_65 = arith.constant dense<0.000000e+00> : vector<64x2048xf32>
      %dot_general3A_66 = tpu.matmul %div3A_59, %get3A_64, %dot_general3A_65 {dimension_numbers = #tpu.dot_dimension_numbers<[1], [1], [0], [0], [0, 0, 1, 0], [], []>, transpose_lhs_hint = false} : vector<64x64xf32>, vector<2048x64xf32>, vector<64x2048xf32> -> vector<64x2048xf32>
      %mul3A_67 = arith.constant 3 : i32
      %mul3A_68 = arith.muli %mul3A_67, %sub3A_10 : i32
      %add3A_69 = arith.constant 2 : i32
      %add3A_70 = arith.addi %mul3A_68, %add3A_69 : i32
      %get3A_71 = arith.index_cast %add3A_70 : i32 to index
      %get3A_72 = arith.constant 0 : index
      %get3A_73 = arith.constant 0 : index
      %get3A_74 = vector.load %arg16[%get3A_71, %get3A_72, %get3A_73] : memref<12x64x64xf32, #tpu.memory_space<vmem>>, vector<1x64x64xf32>
      %get3A_75 = vector.shape_cast %get3A_74 : vector<1x64x64xf32> to vector<64x64xf32>
      %mul3A_76 = arith.constant 0.0220970865 : f32
      %mul3A_77 = vector.broadcast %mul3A_76 : f32 to vector<64x64xf32>
      %mul3A_78 = arith.mulf %get3A_75, %mul3A_77 : vector<64x64xf32>
      %reduce_max3A_79 = arith.constant dense<0xFF800000> : vector<64xf32>
      %reduce_max3A_80 = vector.multi_reduction <maximumf>, %mul3A_78, %reduce_max3A_79 [1] : vector<64x64xf32> to vector<64xf32>
      %max3A_81 = arith.constant 0xFF800000 : f32
      %max3A_82 = vector.broadcast %max3A_81 : f32 to vector<64xf32>
      %max3A_83 = arith.maximumf %max3A_82, %reduce_max3A_80 : vector<64xf32>
      %broadcast_in_dim3A_84 = vector.shape_cast %max3A_83 : vector<64xf32> to vector<64x1xf32>
      %sub3A_85 = vector.broadcast %broadcast_in_dim3A_84 : vector<64x1xf32> to vector<64x64xf32>
      %sub3A_86 = arith.subf %mul3A_78, %sub3A_85 : vector<64x64xf32>
      %exp3A_87 = math.exp %sub3A_86 : vector<64x64xf32>
      %reduce_sum3A_88 = arith.constant dense<0.000000e+00> : vector<64xf32>
      %reduce_sum3A_89 = vector.multi_reduction <add>, %exp3A_87, %reduce_sum3A_88 [1] : vector<64x64xf32> to vector<64xf32>
      %broadcast_in_dim3A_90 = vector.shape_cast %reduce_sum3A_89 : vector<64xf32> to vector<64x1xf32>
      %div3A_91 = vector.broadcast %broadcast_in_dim3A_90 : vector<64x1xf32> to vector<64x64xf32>
      %div3A_92 = arith.divf %exp3A_87, %div3A_91 : vector<64x64xf32>
      %get3A_93 = arith.index_cast %add3A_70 : i32 to index
      %get3A_94 = arith.constant 0 : index
      %get3A_95 = arith.constant 0 : index
      %get3A_96 = vector.load %arg15[%get3A_93, %get3A_94, %get3A_95] : memref<12x2048x64xf32, #tpu.memory_space<vmem>>, vector<1x2048x64xf32>
      %get3A_97 = vector.shape_cast %get3A_96 : vector<1x2048x64xf32> to vector<2048x64xf32>
      %dot_general3A_98 = arith.constant dense<0.000000e+00> : vector<64x2048xf32>
      %dot_general3A_99 = tpu.matmul %div3A_92, %get3A_97, %dot_general3A_98 {dimension_numbers = #tpu.dot_dimension_numbers<[1], [1], [0], [0], [0, 0, 1, 0], [], []>, transpose_lhs_hint = false} : vector<64x64xf32>, vector<2048x64xf32>, vector<64x2048xf32> -> vector<64x2048xf32>
      %concatenate3A = tpu.concatenate %dot_general3A_33, %dot_general3A_66, %dot_general3A_99 in 0 : vector<64x2048xf32>, vector<64x2048xf32>, vector<64x2048xf32> -> vector<192x2048xf32>
      %reshape3A = vector.shape_cast %concatenate3A : vector<192x2048xf32> to vector<512x768xf32>
      %get3A_100 = arith.constant 0 : index
      %get3A_101 = arith.constant 0 : index
      %get3A_102 = vector.load %arg4[%get3A_100, %get3A_101] : memref<768x768xf32, #tpu.memory_space<vmem>>, vector<768x768xf32>
      %dot_general3A_103 = arith.constant dense<0.000000e+00> : vector<512x768xf32>
      %dot_general3A_104 = tpu.matmul %reshape3A, %get3A_102, %dot_general3A_103 {dimension_numbers = #tpu.dot_dimension_numbers<[1], [1], [0], [0], [0, 0, 1, 0], [], []>, transpose_lhs_hint = false} : vector<512x768xf32>, vector<768x768xf32>, vector<512x768xf32> -> vector<512x768xf32>
      %get3A_105 = arith.constant 0 : index
      %get3A_106 = arith.constant 0 : index
      %get3A_107 = vector.load %arg5[%get3A_105, %get3A_106] : memref<1x768xf32, #tpu.memory_space<vmem>>, vector<1x768xf32>
      %add3A_108 = vector.broadcast %get3A_107 : vector<1x768xf32> to vector<512x768xf32>
      %add3A_109 = arith.addf %dot_general3A_104, %add3A_108 : vector<512x768xf32>
      %get3A_110 = arith.constant 0 : index
      %get3A_111 = arith.constant 0 : index
      %get3A_112 = vector.load %arg1[%get3A_110, %get3A_111] : memref<512x768xf32, #tpu.memory_space<vmem>>, vector<512x768xf32>
      %add3A_113 = arith.addf %add3A_109, %get3A_112 : vector<512x768xf32>
      %swap3A = arith.constant 0 : index
      %swap3A_114 = arith.constant 0 : index
      %swap3A_115 = vector.load %arg10[%swap3A, %swap3A_114] : memref<512x768xf32, #tpu.memory_space<vmem>>, vector<512x768xf32>
      tpu.vector_store %arg10[%swap3A, %swap3A_114], %add3A_113 {strides = array<i32>} : memref<512x768xf32, #tpu.memory_space<vmem>>, vector<512x768xf32>,
      %eq3A_116 = arith.constant 0 : i32
      %eq3A_117 = arith.cmpi eq, %sub3A_10, %eq3A_116 : i32
      %convert_element_type3A_118 = arith.extui %eq3A_117 : i1 to i32
      %cond3A_119 = arith.constant 0 : i32
      %cond3A_120 = arith.cmpi ne, %convert_element_type3A_118, %cond3A_119 : i32
      scf.if %cond3A_120 {
        %broadcast_in_dim3A_147 = arith.constant 0.000000e+00 : f32
        %broadcast_in_dim3A_148 = vector.broadcast %broadcast_in_dim3A_147 : f32 to vector<1x768xf32>
        %swap3A_149 = arith.constant 0 : index
        %swap3A_150 = arith.constant 0 : index
        %swap3A_151 = vector.load %arg11[%swap3A_149, %swap3A_150] : memref<1x768xf32, #tpu.memory_space<vmem>>, vector<1x768xf32>
        tpu.vector_store %arg11[%swap3A_149, %swap3A_150], %broadcast_in_dim3A_148 {strides = array<i32>} : memref<1x768xf32, #tpu.memory_space<vmem>>, vector<1x768xf32>,
        %broadcast_in_dim3A_152 = arith.constant 0.000000e+00 : f32
        %broadcast_in_dim3A_153 = vector.broadcast %broadcast_in_dim3A_152 : f32 to vector<1x768xf32>
        %swap3A_154 = arith.constant 0 : index
        %swap3A_155 = arith.constant 0 : index
        %swap3A_156 = vector.load %arg12[%swap3A_154, %swap3A_155] : memref<1x768xf32, #tpu.memory_space<vmem>>, vector<1x768xf32>
        tpu.vector_store %arg12[%swap3A_154, %swap3A_155], %broadcast_in_dim3A_153 {strides = array<i32>} : memref<1x768xf32, #tpu.memory_space<vmem>>, vector<1x768xf32>,
      } else {
      }
      %get3A_121 = arith.constant 0 : index
      %get3A_122 = arith.constant 0 : index
      %get3A_123 = vector.load %arg11[%get3A_121, %get3A_122] : memref<1x768xf32, #tpu.memory_space<vmem>>, vector<1x768xf32>
      %reduce_sum3A_124 = arith.constant dense<0.000000e+00> : vector<768xf32>
      %reduce_sum3A_125 = vector.multi_reduction <add>, %add3A_113, %reduce_sum3A_124 [0] : vector<512x768xf32> to vector<768xf32>
      %broadcast_in_dim3A_126 = vector.shape_cast %reduce_sum3A_125 : vector<768xf32> to vector<1x768xf32>
      %add3A_127 = arith.addf %get3A_123, %broadcast_in_dim3A_126 : vector<1x768xf32>
      %swap3A_128 = arith.constant 0 : index
      %swap3A_129 = arith.constant 0 : index
      %swap3A_130 = vector.load %arg11[%swap3A_128, %swap3A_129] : memref<1x768xf32, #tpu.memory_space<vmem>>, vector<1x768xf32>
      tpu.vector_store %arg11[%swap3A_128, %swap3A_129], %add3A_127 {strides = array<i32>} : memref<1x768xf32, #tpu.memory_space<vmem>>, vector<1x768xf32>,
      %get3A_131 = arith.constant 0 : index
      %get3A_132 = arith.constant 0 : index
      %get3A_133 = vector.load %arg12[%get3A_131, %get3A_132] : memref<1x768xf32, #tpu.memory_space<vmem>>, vector<1x768xf32>
      %mul3A_134 = arith.mulf %add3A_113, %add3A_113 : vector<512x768xf32>
      %reduce_sum3A_135 = arith.constant dense<0.000000e+00> : vector<768xf32>
      %reduce_sum3A_136 = vector.multi_reduction <add>, %mul3A_134, %reduce_sum3A_135 [0] : vector<512x768xf32> to vector<768xf32>
      %broadcast_in_dim3A_137 = vector.shape_cast %reduce_sum3A_136 : vector<768xf32> to vector<1x768xf32>
      %add3A_138 = arith.addf %get3A_133, %broadcast_in_dim3A_137 : vector<1x768xf32>
      %swap3A_139 = arith.constant 0 : index
      %swap3A_140 = arith.constant 0 : index
      %swap3A_141 = vector.load %arg12[%swap3A_139, %swap3A_140] : memref<1x768xf32, #tpu.memory_space<vmem>>, vector<1x768xf32>
      tpu.vector_store %arg12[%swap3A_139, %swap3A_140], %add3A_138 {strides = array<i32>} : memref<1x768xf32, #tpu.memory_space<vmem>>, vector<1x768xf32>,
      %eq3A_142 = arith.constant 3 : i32
      %eq3A_143 = arith.cmpi eq, %sub3A_10, %eq3A_142 : i32
      %convert_element_type3A_144 = arith.extui %eq3A_143 : i1 to i32
      %cond3A_145 = arith.constant 0 : i32
      %cond3A_146 = arith.cmpi ne, %convert_element_type3A_144, %cond3A_145 : i32
      scf.if %cond3A_146 {
        %get3A_147 = arith.constant 0 : index
        %get3A_148 = arith.constant 0 : index
        %get3A_149 = vector.load %arg11[%get3A_147, %get3A_148] : memref<1x768xf32, #tpu.memory_space<vmem>>, vector<1x768xf32>
        %reduce_sum3A_150 = vector.shape_cast %get3A_149 : vector<1x768xf32> to vector<1x1x768xf32>
        %reduce_sum3A_151 = arith.constant dense<0.000000e+00> : vector<1xf32>
        %reduce_sum3A_152 = vector.multi_reduction <add>, %reduce_sum3A_150, %reduce_sum3A_151 [1, 2] : vector<1x1x768xf32> to vector<1xf32>
        %reduce_sum3A_153 = vector.shape_cast %reduce_sum3A_152 : vector<1xf32> to vector<1x1x1xf32>
        %reduce_sum3A_154 = vector.extract %reduce_sum3A_153[0, 0, 0] : f32 from vector<1x1x1xf32>
        %div3A_155 = arith.constant 0x49C00000 : f32
        %div3A_156 = arith.divf %reduce_sum3A_154, %div3A_155 : f32
        %get3A_157 = arith.constant 0 : index
        %get3A_158 = arith.constant 0 : index
        %get3A_159 = vector.load %arg12[%get3A_157, %get3A_158] : memref<1x768xf32, #tpu.memory_space<vmem>>, vector<1x768xf32>
        %reduce_sum3A_160 = vector.shape_cast %get3A_159 : vector<1x768xf32> to vector<1x1x768xf32>
        %reduce_sum3A_161 = arith.constant dense<0.000000e+00> : vector<1xf32>
        %reduce_sum3A_162 = vector.multi_reduction <add>, %reduce_sum3A_160, %reduce_sum3A_161 [1, 2] : vector<1x1x768xf32> to vector<1xf32>
        %reduce_sum3A_163 = vector.shape_cast %reduce_sum3A_162 : vector<1xf32> to vector<1x1x1xf32>
        %reduce_sum3A_164 = vector.extract %reduce_sum3A_163[0, 0, 0] : f32 from vector<1x1x1xf32>
        %mul3A_165 = arith.constant 0x49C00000 : f32
        %mul3A_166 = arith.mulf %mul3A_165, %div3A_156 : f32
        %mul3A_167 = arith.mulf %mul3A_166, %div3A_156 : f32
        %sub3A_168 = arith.subf %reduce_sum3A_164, %mul3A_167 : f32
        %div3A_169 = arith.constant 0x49BFFFF8 : f32
        %div3A_170 = arith.divf %sub3A_168, %div3A_169 : f32
        %add3A_171 = arith.constant 9.99999996E-13 : f32
        %add3A_172 = arith.addf %div3A_170, %add3A_171 : f32
        %sqrt3A = math.sqrt %add3A_172 : f32
        %div3A_173 = arith.constant 1.000000e+00 : f32
        %div3A_174 = arith.divf %div3A_173, %sqrt3A : f32
        %get3A_175 = arith.constant 0 : index
        %get3A_176 = arith.constant 0 : index
        %get3A_177 = vector.load %arg11[%get3A_175, %get3A_176] : memref<1x768xf32, #tpu.memory_space<vmem>>, vector<1x768xf32>
        %div3A_178 = arith.constant 2.048000e+03 : f32
        %div3A_179 = vector.broadcast %div3A_178 : f32 to vector<1x768xf32>
        %div3A_180 = arith.divf %get3A_177, %div3A_179 : vector<1x768xf32>
        %sub3A_181 = vector.broadcast %div3A_156 : f32 to vector<1x768xf32>
        %sub3A_182 = arith.subf %div3A_180, %sub3A_181 : vector<1x768xf32>
        %mul3A_183 = vector.broadcast %div3A_174 : f32 to vector<1x768xf32>
        %mul3A_184 = arith.mulf %sub3A_182, %mul3A_183 : vector<1x768xf32>
        %get3A_185 = arith.constant 0 : index
        %get3A_186 = arith.constant 0 : index
        %get3A_187 = vector.load %arg6[%get3A_185, %get3A_186] : memref<1x768xf32, #tpu.memory_space<vmem>>, vector<1x768xf32>
        %mul3A_188 = arith.mulf %mul3A_184, %get3A_187 : vector<1x768xf32>
        %get3A_189 = arith.constant 0 : index
        %get3A_190 = arith.constant 0 : index
        %get3A_191 = vector.load %arg7[%get3A_189, %get3A_190] : memref<1x768xf32, #tpu.memory_space<vmem>>, vector<1x768xf32>
        %add3A_192 = arith.addf %mul3A_188, %get3A_191 : vector<1x768xf32>
        %get3A_193 = arith.constant 0 : index
        %get3A_194 = arith.constant 0 : index
        %get3A_195 = vector.load %arg8[%get3A_193, %get3A_194] : memref<8x768xf32, #tpu.memory_space<vmem>>, vector<8x768xf32>
        %dot_general3A_196 = arith.constant dense<0.000000e+00> : vector<1x8xf32>
        %dot_general3A_197 = tpu.matmul %add3A_192, %get3A_195, %dot_general3A_196 {dimension_numbers = #tpu.dot_dimension_numbers<[1], [1], [0], [0], [0, 0, 1, 0], [], []>, transpose_lhs_hint = false} : vector<1x768xf32>, vector<8x768xf32>, vector<1x8xf32> -> vector<1x8xf32>
        %get3A_198 = arith.constant 0 : index
        %get3A_199 = arith.constant 0 : index
        %get3A_200 = vector.load %arg9[%get3A_198, %get3A_199] : memref<1x8xf32, #tpu.memory_space<vmem>>, vector<1x8xf32>
        %add3A_201 = arith.addf %dot_general3A_197, %get3A_200 : vector<1x8xf32>
        %reduce_max3A_202 = arith.constant dense<0xFF800000> : vector<1xf32>
        %reduce_max3A_203 = vector.multi_reduction <maximumf>, %add3A_201, %reduce_max3A_202 [1] : vector<1x8xf32> to vector<1xf32>
        %max3A_204 = arith.constant 0xFF800000 : f32
        %max3A_205 = vector.broadcast %max3A_204 : f32 to vector<1xf32>
        %max3A_206 = arith.maximumf %max3A_205, %reduce_max3A_203 : vector<1xf32>
        %broadcast_in_dim3A_207 = vector.shape_cast %max3A_206 : vector<1xf32> to vector<1x1xf32>
        %sub3A_208 = vector.broadcast %broadcast_in_dim3A_207 : vector<1x1xf32> to vector<1x8xf32>
        %sub3A_209 = arith.subf %add3A_201, %sub3A_208 : vector<1x8xf32>
        %exp3A_210 = math.exp %sub3A_209 : vector<1x8xf32>
        %reduce_sum3A_211 = arith.constant dense<0.000000e+00> : vector<1xf32>
        %reduce_sum3A_212 = vector.multi_reduction <add>, %exp3A_210, %reduce_sum3A_211 [1] : vector<1x8xf32> to vector<1xf32>
        %broadcast_in_dim3A_213 = vector.shape_cast %reduce_sum3A_212 : vector<1xf32> to vector<1x1xf32>
        %div3A_214 = vector.broadcast %broadcast_in_dim3A_213 : vector<1x1xf32> to vector<1x8xf32>
        %div3A_215 = arith.divf %exp3A_210, %div3A_214 : vector<1x8xf32>
        %broadcast_in_dim3A_216 = arith.constant -1.000000e+00 : f32
        %broadcast_in_dim3A_217 = vector.broadcast %broadcast_in_dim3A_216 : f32 to vector<1x8xf32>
        %concatenate3A_218 = tpu.concatenate %div3A_215, %broadcast_in_dim3A_217 in 1 : vector<1x8xf32>, vector<1x8xf32> -> vector<1x16xf32>
        %swap3A_219 = arith.constant 0 : index
        %swap3A_220 = arith.constant 0 : index
        %swap3A_221 = vector.load %arg14[%swap3A_219, %swap3A_220] : memref<1x16xf32, #tpu.memory_space<vmem>>, vector<1x16xf32>
        tpu.vector_store %arg14[%swap3A_219, %swap3A_220], %concatenate3A_218 {strides = array<i32>} : memref<1x16xf32, #tpu.memory_space<vmem>>, vector<1x16xf32>,
        %iota3A = tpu.iota {dimensions = array<i32: 1>} : vector<1x2xi32>
        %eq3A_222 = arith.constant 0 : i32
        %eq3A_223 = vector.broadcast %eq3A_222 : i32 to vector<1x2xi32>
        %eq3A_224 = arith.cmpi eq, %iota3A, %eq3A_223 : vector<1x2xi32>
        %broadcast_in_dim3A_225 = vector.broadcast %div3A_156 : f32 to vector<1x2xf32>
        %broadcast_in_dim3A_226 = vector.broadcast %div3A_174 : f32 to vector<1x2xf32>
        %select_n3A = arith.select %eq3A_224, %broadcast_in_dim3A_225, %broadcast_in_dim3A_226 : vector<1x2xi1>, vector<1x2xf32>
        %swap3A_227 = arith.constant 0 : index
        %swap3A_228 = arith.constant 0 : index
        %swap3A_229 = vector.load %arg13[%swap3A_227, %swap3A_228] : memref<1x2xf32, #tpu.memory_space<vmem>>, vector<1x2xf32>
        tpu.vector_store %arg13[%swap3A_227, %swap3A_228], %select_n3A {strides = array<i32>} : memref<1x2xf32, #tpu.memory_space<vmem>>, vector<1x2xf32>,
      } else {
      }
    } else {
    }
    return
  }
  func.func @transform_0(%arg0: i32) -> (i32, i32) {
    %lt3A = arith.constant 4 : i32
    %lt3A_0 = arith.cmpi slt, %arg0, %lt3A : i32
    %sub3A = arith.constant 4 : i32
    %sub3A_1 = arith.subi %arg0, %sub3A : i32
    %select_n3A = arith.select %lt3A_0, %arg0, %sub3A_1 : i32
    %c0_i32 = arith.constant 0 : i32
    %c0_i32_2 = arith.constant 0 : i32
    return %select_n3A, %c0_i32 : i32, i32
  }
  func.func @transform_1(%arg0: i32) -> (i32, i32) {
    %c0_i32 = arith.constant 0 : i32
    %c0_i32_0 = arith.constant 0 : i32
    %c0_i32_1 = arith.constant 0 : i32
    return %c0_i32, %c0_i32_0 : i32, i32
  }
  func.func @transform_2(%arg0: i32) -> (i32, i32) {
    %c0_i32 = arith.constant 0 : i32
    %c0_i32_0 = arith.constant 0 : i32
    %c0_i32_1 = arith.constant 0 : i32
    return %c0_i32, %c0_i32_0 : i32, i32
  }
  func.func @transform_3(%arg0: i32) -> (i32, i32) {
    %c0_i32 = arith.constant 0 : i32
    %c0_i32_0 = arith.constant 0 : i32
    %c0_i32_1 = arith.constant 0 : i32
    return %c0_i32, %c0_i32_0 : i32, i32
  }
  func.func @transform_4(%arg0: i32) -> (i32, i32) {
    %c0_i32 = arith.constant 0 : i32
    %c0_i32_0 = arith.constant 0 : i32
    %c0_i32_1 = arith.constant 0 : i32
    return %c0_i32, %c0_i32_0 : i32, i32
  }
  func.func @transform_5(%arg0: i32) -> (i32, i32) {
    %c0_i32 = arith.constant 0 : i32
    %c0_i32_0 = arith.constant 0 : i32
    %c0_i32_1 = arith.constant 0 : i32
    return %c0_i32, %c0_i32_0 : i32, i32
  }
  func.func @transform_6(%arg0: i32) -> (i32, i32) {
    %c0_i32 = arith.constant 0 : i32
    %c0_i32_0 = arith.constant 0 : i32
    %c0_i32_1 = arith.constant 0 : i32
    return %c0_i32, %c0_i32_0 : i32, i32
  }
  func.func @transform_7(%arg0: i32) -> (i32, i32) {
    %c0_i32 = arith.constant 0 : i32
    %c0_i32_0 = arith.constant 0 : i32
    %c0_i32_1 = arith.constant 0 : i32
    return %c0_i32, %c0_i32_0 : i32, i32
  }
  func.func @transform_8(%arg0: i32) -> (i32, i32) {
    %c0_i32 = arith.constant 0 : i32
    %c0_i32_0 = arith.constant 0 : i32
    %c0_i32_1 = arith.constant 0 : i32
    return %c0_i32, %c0_i32_0 : i32, i32
  }
  func.func @transform_9(%arg0: i32) -> (i32, i32) {
    %lt3A = arith.constant 4 : i32
    %lt3A_0 = arith.cmpi slt, %arg0, %lt3A : i32
    %sub3A = arith.constant 4 : i32
    %sub3A_1 = arith.subi %arg0, %sub3A : i32
    %select_n3A = arith.select %lt3A_0, %arg0, %sub3A_1 : i32
    %c0_i32 = arith.constant 0 : i32
    %c0_i32_2 = arith.constant 0 : i32
    return %select_n3A, %c0_i32 : i32, i32
  }
  func.func @transform_10(%arg0: i32) -> (i32, i32) {
    %c0_i32 = arith.constant 0 : i32
    %c0_i32_0 = arith.constant 0 : i32
    %c0_i32_1 = arith.constant 0 : i32
    return %c0_i32, %c0_i32_0 : i32, i32
  }
  func.func @transform_11(%arg0: i32) -> (i32, i32) {
    %c0_i32 = arith.constant 0 : i32
    %c0_i32_0 = arith.constant 0 : i32
    %c0_i32_1 = arith.constant 0 : i32
    return %c0_i32, %c0_i32_0 : i32, i32
  }
  func.func @transform_12(%arg0: i32) -> (i32, i32) {
    %c0_i32 = arith.constant 0 : i32
    %c0_i32_0 = arith.constant 0 : i32
    %c0_i32_1 = arith.constant 0 : i32
    return %c0_i32, %c0_i32_0 : i32, i32
  }
  func.func @transform_13(%arg0: i32) -> (i32, i32) {
    %c0_i32 = arith.constant 0 : i32
    %c0_i32_0 = arith.constant 0 : i32
    %c0_i32_1 = arith.constant 0 : i32
    return %c0_i32, %c0_i32_0 : i32, i32
  }
}

</mosaic_0001>

<sc_bundles>
// kernel: kernel.5.cloned.1.call-start
scs
__scs_entry_jumppad:
0x0: {  	(pc) =	sbr.rel $0x88, $3  }
0x1: {  	(tag) =	ssettag $0x0;
	lr =	simm.s32 $0x1  }
0x2: {  	[smem:$0x3F92] =	sst lr;
	_ =	strace $0xD0000000  }
0x3: {  	_ = 	snop  }
0x4: {  	_ = 	snop  }
0x5: {  	_ = 	snop  }
0x6: {  	_ = 	snop  }
0x7: {  	_ = 	snop  }
__scs_overlays_trampoline_lowered:
0x8: {  	[smem:$0x3FA1] =	sst s0  }
0x9: {  	[smem:$0x3FA2] =	sst s1  }
0xa: {  	[smem:$0x3FA3] =	sst s2  }
0xb: {  	[smem:$0x3FA4] =	sst s3  }
0xc: {  	[smem:$0x3FA5] =	sst s4  }
0xd: {  	[smem:$0x3FA6] =	sst s5  }
0xe: {  	[smem:$0x3FA7] =	sst s6  }
0xf: {  	[smem:$0x3FA8] =	sst s7  }
0x10: {  	[smem:$0x3FA9] =	sst s8  }
0x11: {  	[smem:$0x3FAA] =	sst s9;
	s0 =	simm.s32 @!p0 $0x0  }
0x12: {  	s1 =	sld [smem:$0x3F90];
	s0 =	simm.s32 @p0 $0x1  }
0x13: {  	[smem:$0x3FAB] =	sst s0;
	s0 =	simm.s32 @!p1 $0x0  }
0x14: {  	s2 =	sld [smem:$0x3F8F];
	s0 =	simm.s32 @p1 $0x1  }
0x15: {  	[smem:$0x3FAC] =	sst s0;
	s0 =	simm.s32 @!p2 $0x0  }
0x16: {  	s3 =	sld [smem:$0x3FDB];
	s0 =	simm.s32 @p2 $0x1  }
0x17: {  	s4 =	simm.s32 $0x1BF5;
	[smem:$0x3FAE] =	sst s0  }
0x18: {  	s0 =	sld [smem:$0x3F91];
	_ =	swait.ge [sflag:s4], $0x0  }
0x19: {  	s7 =	sld [smem:$0x3F92]  }
0x1a: {  	s8 =	sadd.s32 $0xFFFFE003, lr  }
0x1b: {  	s9 =	sadd.s32 $0xFFFFFEF7, lr;
	s5 =	simm.s32 $0xFFFFFFFF;
	p2 =	slt.u32 s8, $0xFFFFF086  }
0x1c: {  	p1 =	slt.u32 s9, $0xF7A;
	s5 =	simm.s32 @!p2 $0x0  }
0x1d: {  	s5 =	simm.s32 @p1 $0x1;
	p0 =	seq.s32 s7, s2  }
0x1e: {  	s7 =	smul.u32 @!p0 $0xF7A, s2;
	p2 =	seq.s32 @!p0 s5, $0x0  }
0x1f: {  	s9 =	smul.u32 $0xF7A, s1;
	s8 =	simm.s32 @!p0 $0x1BF5;
	p2 =	por !p2, p0  }
0x20: {  	[sflag:s8] =	ssyncset.s32 @!p0 $0xFFFFF086;
	s6 =	sadd.s32 @!p0 s3, s7;
	s7 =	simm.s32 @!p0 $0x108  }
0x21: {  	s3 =	sadd.s32 s3, s9;
	s6 =	sadd.s32 @!p0 $0x88, s6;
	s7 =	simm.s32 @p2 $0x1082  }
0x22: {  	[simem:s7], [sflag:s8] =	dma.local @!p0 [hbm:s6], $0xF7A  }
0x23: {  	s9 =	sor.u32 $0xD0000000, s2;
	s6 =	simm.s32 $0x108;
	_ =	swait.ge @!p0 [sflag:s8], $0x0  }
0x24: {  	s3 =	sadd.s32 $0x88, s3;
	s6 =	simm.s32 @!p1 $0x1082;
	[sflag:s4] =	ssyncset.s32 $0xFFFFF086  }
0x25: {  	[simem:s6], [sflag:s4] =	dma.local [hbm:s3], $0xF7A  }
0x26: {  	[smem:$0x3F92] =	sst s1;
	(tag) =	ssettag s2;
	_ =	strace s9  }
0x27: {  	s1 =	sld [smem:$0x3FA2]  }
0x28: {  	s2 =	sld [smem:$0x3FA3]  }
0x29: {  	s4 =	sld [smem:$0x3FA5]  }
0x2a: {  	p0 =	seq.s32 s5, $0x0;
	s5 =	sld [smem:$0x3FA6]  }
0x2b: {  	s6 =	sld [smem:$0x3FA7]  }
0x2c: {  	s7 =	sld [smem:$0x3FA8]  }
0x2d: {  	s3 =	simm.s32 $0x108;
	s8 =	sld [smem:$0x3FA9]  }
0x2e: {  	s3 =	simm.s32 @!p0 $0x1082;
	s9 =	sld [smem:$0x3FAA]  }
0x2f: {  	lr =	sadd.s32 s0, s3;
	s0 =	sld [smem:$0x3FA1]  }
0x30: {  	s3 =	sld [smem:$0x3FA4]  }
0x31: {  	[smem:$0x3FAD] =	sst s10  }
0x32: {  	s10 =	sld [smem:$0x3FAB];
	_ =	sdelay $0x3  }
0x33: {  	p0 =	seq.s32 s10, $0x1;
	s10 =	sld [smem:$0x3FAD];
	_ =	sdelay $0x3  }
0x34: {  	[smem:$0x3FAD] =	sst s10  }
0x35: {  	s10 =	sld [smem:$0x3FAC];
	_ =	sdelay $0x3  }
0x36: {  	p1 =	seq.s32 s10, $0x1;
	s10 =	sld [smem:$0x3FAD];
	_ =	sdelay $0x3  }
0x37: {  	[smem:$0x3FAD] =	sst s10  }
0x38: {  	s10 =	sld [smem:$0x3FAE]  }
0x39: {  	_ = 	snop;
	(pc) =	sbr.ind lr, $3  }
0x3a: {  	_ = 	snop  }
0x3b: {  	_ = 	snop  }
0x3c: {  	p2 =	seq.s32 s10, $0x1;
	s10 =	sld [smem:$0x3FAD]  }
0x3d: {  	_ =	shalt  }
0x3e: {  	_ =	shalt  }
0x3f: {  	_ =	shalt  }
0x40: {  	_ =	shalt  }
0x41: {  	_ =	shalt  }
0x42: {  	_ =	shalt  }
0x43: {  	_ =	shalt  }
0x44: {  	_ =	shalt  }
0x45: {  	_ =	shalt  }
0x46: {  	_ =	shalt  }
0x47: {  	_ =	shalt  }
0x48: {  	_ =	shalt  }
0x49: {  	_ =	shalt  }
0x4a: {  	_ =	shalt  }
0x4b: {  	_ =	shalt  }
0x4c: {  	_ =	shalt  }
0x4d: {  	_ =	shalt  }
0x4e: {  	_ =	shalt  }
0x4f: {  	_ =	shalt  }
0x50: {  	_ =	shalt  }
0x51: {  	_ =	shalt  }
0x52: {  	_ =	shalt  }
0x53: {  	_ =	shalt  }
0x54: {  	_ =	shalt  }
0x55: {  	_ =	shalt  }
0x56: {  	_ =	shalt  }
0x57: {  	_ =	shalt  }
0x58: {  	_ =	shalt  }
0x59: {  	_ =	shalt  }
0x5a: {  	_ =	shalt  }
0x5b: {  	_ =	shalt  }
0x5c: {  	_ =	shalt  }
0x5d: {  	_ =	shalt  }
0x5e: {  	_ =	shalt  }
0x5f: {  	_ =	shalt  }
0x60: {  	_ =	shalt  }
0x61: {  	_ =	shalt  }
0x62: {  	_ =	shalt  }
0x63: {  	_ =	shalt  }
0x64: {  	_ =	shalt  }
0x65: {  	_ =	shalt  }
0x66: {  	_ =	shalt  }
0x67: {  	_ =	shalt  }
0x68: {  	_ =	shalt  }
0x69: {  	_ =	shalt  }
0x6a: {  	_ =	shalt  }
0x6b: {  	_ =	shalt  }
0x6c: {  	_ =	shalt  }
0x6d: {  	_ =	shalt  }
0x6e: {  	_ =	shalt  }
0x6f: {  	_ =	shalt  }
0x70: {  	_ =	shalt  }
0x71: {  	_ =	shalt  }
0x72: {  	_ =	shalt  }
0x73: {  	_ =	shalt  }
0x74: {  	_ =	shalt  }
0x75: {  	_ =	shalt  }
0x76: {  	_ =	shalt  }
0x77: {  	_ =	shalt  }
0x78: {  	_ =	shalt  }
0x79: {  	_ =	shalt  }
0x7a: {  	_ =	shalt  }
0x7b: {  	_ =	shalt  }
0x7c: {  	_ =	shalt  }
0x7d: {  	_ =	shalt  }
0x7e: {  	_ =	shalt  }
0x7f: {  	_ =	shalt  }
0x80: {  	_ =	shalt  }
0x81: {  	_ =	shalt  }
0x82: {  	_ =	shalt  }
0x83: {  	_ =	shalt  }
0x84: {  	_ =	shalt  }
0x85: {  	_ =	shalt  }
0x86: {  	_ =	shalt  }
0x87: {  	_ =	shalt  }
.Lfunc_end0:
.L_simem_size_0:
called_computation_lowered:
.L_overlay_start_0:
0x88: {  	s0 =	sld [smem:$0x3FD9]  }
0x89: {  	s1 =	sld [smem:$0x3FFE];
	_ =	sdelay $0x3  }
0x8a: {  	s0 =	sadd.s32 s1, s0  }
0x8b: {  	[smem:$0x3FB9] =	sst s0  }
0x8c: {  	_ = 	snop  }
0x8d: {  	s0 =	sld [smem:$0x3FD0];
	(tm) =	ssettm $0x1  }
0x8e: {  	s16 =	sld [smem:$0x3FFB];
	_ =	sdelay $0x3  }
0x8f: {  	_ =	strace s16  }
0x90: {  	s1 =	sld [smem:$0x3FFC];
	_ =	sdelay $0x3  }
0x91: {  	_ =	strace s1  }
0x92: {  	s1 =	sld [smem:$0x3FFD];
	_ =	sdelay $0x3  }
0x93: {  	_ =	strace s1  }
0x94: {  	_ =	strace $0x8FFFFFFF  }
0x95: {  	s17 =	sld [smem:$0x3FDB];
	_ =	sdelay $0x1  }
0x96: {  	s2 =	simm.s32 $_scs_section_size  }
0x97: {  	s3 =	simm.s32 $_size__tile_overlayer_lowered;
	s4 =	simm.s32 $_tile_overlayer_lowered  }
0x98: {  	s20 =	simm.s32 $0x1BFF;
	s19 =	sshll.u32 s4, $0x1;
	s1 =	sadd.s32 s2, s17  }
0x99: {  	s5 =	simm.s32 $0x0;
	s18 =	sshll.u32 s3, $0x1;
	s3 =	sadd.s32 s19, s1  }
0x9a: {  	[timem:s5], [sflag:s20] =	dma.local [hbm:s3], s18  }
0x9b: {  	_ =	swait.ge [sflag:s20], s18  }
0x9c: {  	s2 =	ssub.s32 $0x0, s18;
	[sflag:s20] =	ssyncset.done $0x0  }
0x9d: {  	[sflag:s20] =	ssyncadd.s32 s2;
	_ =	sdelay $0x1  }
0x9e: {  	s21 =	simm.s32 $0x1B8B  }
0x9f: {  	_ =	swait.ge [sflag:s21], $0x1  }
0xa0: {  	[sflag:s21] =	ssyncset.done $0x0  }
0xa1: {  	s23 =	simm.s32 $0x1B8E;
	s22 =	sld [smem:$0x3FFE];
	[sflag:s21] =	ssyncadd.s32 $0xFFFFFFFF  }
0xa2: {  	s24 =	simm.s32 $execute0_lowered;
	[smem:$0x3FD2] =	sst s23  }
0xa3: {  	s3 =	sshll.u32 s24, $0x1;
	_ =	strace $0x80000046;
	[dreg:$0x1] =	wrdreg $0xFFFFFFFF  }
0xa4: {  	s25 =	simm.s32 $_size_execute0_lowered;
	s1 =	sadd.s32 s1, s3;
	[dreg:$0x0] =	wrdreg $0x0  }
0xa5: {  	s3 =	sshll.u32 s25, $0x1;
	[dreg:$0x2] =	wrdreg s1  }
0xa6: {  	[dreg:$0x3] =	wrdreg s3  }
0xa7: {  	[dreg:$0x4] =	wrdreg $0xC0  }
0xa8: {  	_ =	task [dreg:s5], $0x5FFFF  }
0xa9: {  	[dreg:$0x1] =	wrdreg $0xFFFFFFFF  }
0xaa: {  	[dreg:$0x0] =	wrdreg $0x60  }
0xab: {  	[dreg:$0x2] =	wrdreg s0  }
0xac: {  	[dreg:$0x3] =	wrdreg s22  }
0xad: {  	[dreg:$0x4] =	wrdreg $0x9  }
0xae: {  	_ =	task.clear_ibuf [dreg:s5], $0x5FFFF;
	_ =	strace $0x90000046  }
0xaf: {  	s26 =	simm.s32 $0x9;
	_ =	strace $0x80000048  }
0xb0: {  	_ =	swait.ge [sflag:s26], $0x1  }
0xb1: {  	[sflag:s26] =	ssyncadd.s32 $0xFFFFFFFF  }
0xb2: {  	_ =	strace $0x90000048  }
0xb3: {  	_ =	sfence  }
0xb4: {  	s28 =	sld [smem:$0x0];
	_ =	sdelay $0x1  }
0xb5: {  	s29 =	srdreg.scid  }
0xb6: {  	s30 =	sshll.u32 s29, $0xD;
	s31 =	sshrl.u32 s29, $0x2  }
0xb7: {  	s2 =	sand.u32 $0x4000, s30;
	s1 =	sand.u32 $0x1, s29;
	s0 =	sadd.s32 s31, s28  }
0xb8: {  	s1 =	sor.u32 s2, s1;
	s0 =	sshll.u32 s0, $0x11  }
0xb9: {  	s0 =	sor.u32 s0, s1  }
0xba: {  	s0 =	sadd.s32 $0x8F2B, s0  }
0xbb: {  	[sflag:s0] =	ssyncadd.remote.s32 $0x1  }
0xbc: {  	_ =	sfence.sel $0xFFFF  }
0xbd: {  	[dreg:$0x0] =	wrdreg $0xFFFFFFFF;
	(pc) =	sbr.abs _section_cstart, $3  }
0xbe: {  	[dreg:$0x1] =	wrdreg $0xFFFFFFFF  }
0xbf: {  	_ =	task.clear_ibuf [dreg:s5], $0x2FFFF;
	_ =	strace $0x9FFFFFFF  }
0xc0: {  	(tm) =	ssettm $0x7FFFFFFF  }
0xc1: {  	_ =	shalt  }
tec
execute0_lowered:
.L_overlay_start_1:
0x0: {  	(tag) =	ssettag $0x1  }
0x1: {  	s0 =	rddreg [dreg:$0x0];
	s2 =	stileid.u32  }
0x2: {  	s1 =	rddreg [dreg:$0x1];
	p0 =	sne.s32 s2, $0x0  }
0x3: {  	s3 =	rddreg [dreg:$0x2];
	_ =	strace $0x80000047;
	s2 =	simm.s32 @!p0 $0x0  }
0x4: {  	[tilespmem:s2], [sflag:$0x1] =	stream.linear.gather @!p0 [hbm4b:s0+s2], $0x80, $0x38;
	[tilespmem:$0x180] =	vst v63  }
0x5: {  	s0 =	simm.s32 @!p0 $0x1  }
0x6: {  	_ =	swait.ge @!p0 [sflag:s0], $0x80  }
0x7: {  	[sflag:s0] =	ssyncset.done @!p0 $0x0  }
0x8: {  	[sflag:s0] =	ssyncadd.s32 @!p0 $0xFFFFFF80  }
0x9: {  	v0 =	vld @!p0 [tilespmem:$0x0];
	_ =	sdelay $0x3  }
0xa: {  	v1 =	vlaneseq.u32 @!p0  }
0xb: {  	(xrf1) =	vsort.dscd.msk.f32 @!p0 $0xffff, v0, v1;
	_ =	sdelay $0xd  }
0xc: {  	v0, v1, _ =	vpop @!p0 (xrf1)  }
0xd: {  	[tilespmem:$0x80] =	vst @!p0 v0  }
0xe: {  	s4 =	sadd.s32 $0x2200, s1;
	s5 =	simm.s32 @!p0 $0x80;
	[tilespmem:$0x100] =	vst @!p0 v1  }
0xf: {  	[hbm4b:s4+s2] =	stream.linear.scatter @!p0 [tilespmem:s5], [sflag:$0x1], $0x80, $0x38;
	[tilespmem:$0x180] =	vst v63  }
0x10: {  	_ =	swait.ge @!p0 [sflag:s0], $0x80  }
0x11: {  	[sflag:s0] =	ssyncset.done @!p0 $0x0  }
0x12: {  	s1 =	sadd.s32 $0x2400, s1;
	s4 =	simm.s32 @!p0 $0x100;
	[sflag:s0] =	ssyncadd.s32 @!p0 $0xFFFFFF80  }
0x13: {  	[hbm4b:s1+s2] =	stream.linear.scatter @!p0 [tilespmem:s4], [sflag:$0x1], $0x8, $0x38;
	[tilespmem:$0x180] =	vst v63  }
0x14: {  	_ =	swait.ge @!p0 [sflag:s0], $0x8  }
0x15: {  	[sflag:s0] =	ssyncset.done @!p0 $0x0  }
0x16: {  	[sflag:s0] =	ssyncadd.s32 @!p0 $0xFFFFFFF8  }
0x17: {  	_ =	sfence.sel $0x180000  }
0x18: {  	[bflag:$0x0] =	sbarrier.arrive $0xFFFF  }
0x19: {  	_ =	strace $0x90000047  }
0x1a: {  	s0 =	sadd.s32 @!p0 $0x100000, s3;
	[bflag:$0x2] =	sbarrier.arrive $0xFFFF  }
0x1b: {  	[sflag:s0] =	ssyncadd.tile.s32 @!p0 $0x1;
	_ =	shalt  }
.Lfunc_end2:
_tile_overlayer_lowered:
.L_overlay_start_2:
0x1c: {  	(tag) =	ssettag $0x2  }
0x1d: {  	s0 =	rddreg [dreg:$0x0];
	s2 =	stileid.u32  }
0x1e: {  	s1 =	rddreg [dreg:$0x1];
	p0 =	sne.s32 s2, $0x0  }
0x1f: {  	s3 =	rddreg [dreg:$0x2];
	[bflag:$0x3] =	sbarrier.arrive $0xFFFF;
	s2 =	simm.s32 @!p0 $0x1C01  }
0x20: {  	[timem:s3], [sflag:s2] =	dma.local @!p0 [hbm:s0], s1  }
0x21: {  	s0 =	simm.s32 @!p0 $0x1  }
0x22: {  	_ =	swait.ge @!p0 [sflag:s0], s1  }
0x23: {  	s1 =	ssub.s32 @!p0 $0x0, s1;
	[sflag:s0] =	ssyncset.done @!p0 $0x0  }
0x24: {  	[sflag:s0] =	ssyncadd.s32 @!p0 s1  }
0x25: {  	[bflag:$0x3] =	sbarrier.arrive $0xFFFF  }
0x26: {  	_ =	shalt  }

</sc_bundles>
